<compile_context>
chip_gen: v7x
topology: tpu7x:2x2x1
jax: 0.10.2.dev20260603
libtpu: 0.0.44.dev20260713+nightly
codegen_flags: <defaults>
</compile_context>

<pallas_src>
import functools

import jax
import jax.numpy as jnp
from jax import lax
from jax.experimental import pallas as pl
from jax.experimental.pallas import tpu as pltpu, tpu_sc as plsc

NC = 2
NS = 16
CH = 120
NBUF = 6


def _make_agg(N, D, iters):
    rpt = (N // NS) // 8 * 8
    rem = N - NS * rpt
    assert rem % 8 == 0
    assert iters % NBUF == 0
    epw = iters * CH

    mesh = plsc.VectorSubcoreMesh(core_axis_name="c", subcore_axis_name="s")

    @functools.partial(
        pl.kernel,
        mesh=mesh,
        compiler_params=pltpu.CompilerParams(use_tc_tiling_on_sc=False),
        out_type=jax.ShapeDtypeStruct((NC, N, D), jnp.bfloat16),
        scratch_types=[
            [pltpu.VMEM((2, CH), jnp.int32)] * NBUF,
            [pltpu.VMEM((CH, D), jnp.bfloat16)] * NBUF,
            [pltpu.SemaphoreType.DMA] * NBUF,
            [pltpu.SemaphoreType.DMA] * NBUF,
            pltpu.VMEM_SHARED((N, D), jnp.bfloat16),
        ],
    )
    def agg(idx_hbm, x_hbm, zeros_hbm, out_hbm,
            idx_v, rows, isem, gsem, acc_sh):
        cid = lax.axis_index("c")
        sid = lax.axis_index("s")
        wid = cid * NS + sid
        chunk_base = wid * iters

        src_v = [iv.at[0] for iv in idx_v]
        dst_v = [iv.at[1] for iv in idx_v]

        def idx_start(j, b):
            pltpu.async_copy(idx_hbm.at[chunk_base + j], idx_v[b], isem[b])

        def idx_wait(b):
            pltpu.make_async_copy(idx_hbm.at[0], idx_v[b], isem[b]).wait()

        SP = 64

        def gather_start(b):
            pltpu.async_copy(x_hbm.at[idx_v[b].at[0, pl.ds(0, SP)]],
                             rows[b].at[pl.ds(0, SP)], gsem[b])
            pltpu.async_copy(x_hbm.at[idx_v[b].at[0, pl.ds(SP, CH - SP)]],
                             rows[b].at[pl.ds(SP, CH - SP)], gsem[b])

        def gather_wait(b):
            pltpu.make_async_copy(x_hbm.at[idx_v[b].at[0, pl.ds(0, SP)]],
                                  rows[b].at[pl.ds(0, SP)], gsem[b]).wait()
            pltpu.make_async_copy(
                x_hbm.at[idx_v[b].at[0, pl.ds(SP, CH - SP)]],
                rows[b].at[pl.ds(SP, CH - SP)], gsem[b]).wait()

        pltpu.sync_copy(zeros_hbm.at[pl.ds(0, rpt)],
                        acc_sh.at[pl.ds(sid * rpt, rpt)])

        @pl.when(sid == NS - 1)
        def _():
            pltpu.sync_copy(zeros_hbm.at[pl.ds(0, rem)],
                            acc_sh.at[pl.ds(NS * rpt, rem)])

        for k in range(NBUF):
            idx_start(k, k)
        for k in range(NBUF - 1):
            idx_wait(k)
            gather_start(k)

        plsc.subcore_barrier()

        def pair(i, carry):
            for b in range(NBUF):
                j = i * NBUF + b
                nb = (b + NBUF - 1) % NBUF
                gather_wait(b)

                @pl.when(j + NBUF - 1 < iters)
                def _(j=j, nb=nb):
                    idx_wait(nb)
                    gather_start(nb)

                pltpu.sync_copy(rows[b], acc_sh.at[dst_v[b]], add=True)

                @pl.when(j + NBUF < iters)
                def _(j=j, b=b):
                    idx_start(j + NBUF, b)
            return carry

        lax.fori_loop(0, iters // NBUF, pair, 0)
        plsc.subcore_barrier()

        pltpu.sync_copy(acc_sh.at[pl.ds(sid * rpt, rpt)],
                        out_hbm.at[cid, pl.ds(sid * rpt, rpt)])

        @pl.when(sid == NS - 1)
        def _():
            pltpu.sync_copy(acc_sh.at[pl.ds(NS * rpt, rem)],
                            out_hbm.at[cid, pl.ds(NS * rpt, rem)])

    return agg


def _mlp_body(x_ref, acc_ref, w1_ref, b1_ref, w2_ref, b2_ref, o_ref):
    h = (x_ref[...] + acc_ref[0].astype(jnp.float32)
         + acc_ref[1].astype(jnp.float32))
    dn = (((1,), (1,)), ((), ()))
    h = lax.dot_general(h, w1_ref[...], dn,
                        preferred_element_type=jnp.float32) + b1_ref[...]
    h = jnp.maximum(h, 0.0)
    h = lax.dot_general(h, w2_ref[...], dn,
                        preferred_element_type=jnp.float32) + b2_ref[...]
    o_ref[...] = jnp.maximum(h, 0.0)


@jax.jit
def kernel(x, edge_index, W1, b1, W2, b2):
    N, D = x.shape
    E = edge_index.shape[1]
    NW = NC * NS
    epw = E // NW
    assert epw * NW == E
    iters = -(-epw // CH)
    iters = -(-iters // NBUF) * NBUF
    pad = iters * CH - epw

    src = edge_index[0].reshape(NW, epw)
    dst = edge_index[1].reshape(NW, epw)
    xp = x.astype(jnp.bfloat16)
    if pad:
        src = jnp.concatenate(
            [src, jnp.full((NW, pad), N, jnp.int32)], axis=1)
        dpad = (jnp.arange(NW * pad, dtype=jnp.int32).reshape(NW, pad)
                * 97) % N
        dst = jnp.concatenate([dst, dpad], axis=1)
        xp = jnp.concatenate([xp, jnp.zeros((8, D), xp.dtype)], axis=0)
    idx = jnp.stack(
        [src.reshape(NW, iters, CH), dst.reshape(NW, iters, CH)], axis=2
    ).reshape(NW * iters, 2, CH)
    zeros = jnp.zeros(((N // NS) // 8 * 8, D), dtype=jnp.bfloat16)

    acc = _make_agg(N, D, iters)(idx, xp, zeros)
    return acc[0].astype(jnp.float32)

    R = 2000
    grid = (N // R,)
    out = pl.pallas_call(
        _mlp_body,
        grid=grid,
        in_specs=[
            pl.BlockSpec((R, D), lambda i: (i, 0)),
            pl.BlockSpec((NC, R, D), lambda i: (0, i, 0)),
            pl.BlockSpec((D, D), lambda i: (0, 0)),
            pl.BlockSpec((1, D), lambda i: (0, 0)),
            pl.BlockSpec((D, D), lambda i: (0, 0)),
            pl.BlockSpec((1, D), lambda i: (0, 0)),
        ],
        out_specs=pl.BlockSpec((R, D), lambda i: (i, 0)),
        out_shape=jax.ShapeDtypeStruct((N, D), jnp.float32),
    )(x, acc, W1, b1.reshape(1, D), W2, b2.reshape(1, D))
    return out

# --- scband reference (transcript-rebuilt; emitter-appended) ---
"""Pipeline reference for scband-ginconv-22342419874451 (READ-ONLY COPY).

The authoritative reference and input builder live on the scoring server;
editing this copy changes nothing except your own understanding.
"""

import jax, jax.numpy as jnp
import numpy as np

N = 10000
E = 320000
D = 128


def setup_inputs(seed: int = 0) -> dict:
    key = jax.random.key(seed)
    k1, k2, k3, k4, k5, k6 = jax.random.split(key, 6)
    x = jax.random.normal(k1, (N, D), dtype=jnp.float32)
    edge_index = jax.random.randint(k2, (2, E), 0, N, dtype=jnp.int32)
    scale = 1.0 / np.sqrt(D)
    W1 = jax.random.normal(k3, (D, D), dtype=jnp.float32) * scale
    b1 = jnp.zeros((D,), dtype=jnp.float32)
    W2 = jax.random.normal(k4, (D, D), dtype=jnp.float32) * scale
    b2 = jnp.zeros((D,), dtype=jnp.float32)
    return {"x": x, "edge_index": edge_index, "W1": W1, "b1": b1, "W2": W2, "b2": b2}


def reference(x, edge_index, W1, b1, W2, b2):
    # GINConv: h = (1 + eps) * x + sum_{j in N(i)} x_j, eps = 0 (default, not trained)
    src = edge_index[0]
    dst = edge_index[1]
    messages = jnp.take(x, src, axis=0)          # gather source node features (SparseCore gather)
    agg = jax.ops.segment_sum(messages, dst, num_segments=N)  # scatter-add to dst nodes
    h = x + agg
    # MLP: Linear -> ReLU -> Linear
    h = h @ W1.T + b1
    h = jax.nn.relu(h)
    h = h @ W2.T + b2
    # dropout(p=0.0) is identity; final activation
    out = jax.nn.relu(h)
    return out

if __name__ == "__main__":
    import jax
    _d = setup_inputs()
    print(jax.jit(kernel)(*tuple(_d.values())))

</pallas_src>

<mosaic_0001>
#map = affine_map<(d0, d1) -> (0, 0, 0)>
#map1 = affine_map<(d0, d1) -> (0, 0)>
module attributes {stable_mosaic.version = 14 : i64} {
  func.func @agg(%arg0: i32, %arg1: i32, %arg2: memref<2688x2x120xi32, #tpu.memory_space<hbm>>, %arg3: memref<10008x128xbf16, #tpu.memory_space<hbm>>, %arg4: memref<624x128xbf16, #tpu.memory_space<hbm>>, %arg5: memref<2x10000x128xbf16, #tpu.memory_space<hbm>>, %arg6: memref<2x120xi32, #tpu.memory_space<vmem>>, %arg7: memref<2x120xi32, #tpu.memory_space<vmem>>, %arg8: memref<2x120xi32, #tpu.memory_space<vmem>>, %arg9: memref<2x120xi32, #tpu.memory_space<vmem>>, %arg10: memref<2x120xi32, #tpu.memory_space<vmem>>, %arg11: memref<2x120xi32, #tpu.memory_space<vmem>>, %arg12: memref<120x128xbf16, #tpu.memory_space<vmem>>, %arg13: memref<120x128xbf16, #tpu.memory_space<vmem>>, %arg14: memref<120x128xbf16, #tpu.memory_space<vmem>>, %arg15: memref<120x128xbf16, #tpu.memory_space<vmem>>, %arg16: memref<120x128xbf16, #tpu.memory_space<vmem>>, %arg17: memref<120x128xbf16, #tpu.memory_space<vmem>>, %arg18: memref<!tpu.dma_semaphore, #tpu.memory_space<semaphore_mem>>, %arg19: memref<!tpu.dma_semaphore, #tpu.memory_space<semaphore_mem>>, %arg20: memref<!tpu.dma_semaphore, #tpu.memory_space<semaphore_mem>>, %arg21: memref<!tpu.dma_semaphore, #tpu.memory_space<semaphore_mem>>, %arg22: memref<!tpu.dma_semaphore, #tpu.memory_space<semaphore_mem>>, %arg23: memref<!tpu.dma_semaphore, #tpu.memory_space<semaphore_mem>>, %arg24: memref<!tpu.dma_semaphore, #tpu.memory_space<semaphore_mem>>, %arg25: memref<!tpu.dma_semaphore, #tpu.memory_space<semaphore_mem>>, %arg26: memref<!tpu.dma_semaphore, #tpu.memory_space<semaphore_mem>>, %arg27: memref<!tpu.dma_semaphore, #tpu.memory_space<semaphore_mem>>, %arg28: memref<!tpu.dma_semaphore, #tpu.memory_space<semaphore_mem>>, %arg29: memref<!tpu.dma_semaphore, #tpu.memory_space<semaphore_mem>>, %arg30: memref<10000x128xbf16, #tpu.memory_space<vmem_shared>>) attributes {dimension_semantics = [#tpu.dimension_semantics<core_parallel>, #tpu.dimension_semantics<subcore_parallel>], iteration_bounds = array<i64: 2, 16>, scalar_prefetch = 0 : i64, scratch_operands = 25 : i64, tpu.core_type = #tpu.core_type<sc_vector_subcore>, window_params = [{transform_indices = #map}, {transform_indices = #map1}, {transform_indices = #map1}, {transform_indices = #map}]} {
    %mul3A = arith.constant 16 : i32
    %mul3A_0 = arith.muli %arg0, %mul3A : i32
    %add3A = arith.addi %mul3A_0, %arg1 : i32
    %mul3A_1 = arith.constant 84 : i32
    %mul3A_2 = arith.muli %add3A, %mul3A_1 : i32
    %mul3A_3 = arith.constant 624 : i32
    %mul3A_4 = arith.muli %arg1, %mul3A_3 : i32
    "tpu.region"() ({
      %run_scoped3A = tpu.sem_alloc : memref<!tpu.dma_semaphore, #tpu.memory_space<semaphore_mem>>
      %dma_start3A_231 = arith.constant 0 : i32
      %dma_start3A_232 = tpu.memref_slice %arg30[%mul3A_4, %dma_start3A_231] : memref<10000x128xbf16, #tpu.memory_space<vmem_shared>> -> memref<624x128xbf16, #tpu.memory_space<vmem_shared>>
      %dma_start3A_233 = arith.constant 0 : i32
      %dma_start3A_234 = arith.constant 0 : i32
      %dma_start3A_235 = tpu.memref_slice %arg4[%dma_start3A_233, %dma_start3A_234] : memref<624x128xbf16, #tpu.memory_space<hbm>> -> memref<624x128xbf16, #tpu.memory_space<hbm>>
      tpu.enqueue_dma source(%dma_start3A_235 : memref<624x128xbf16, #tpu.memory_space<hbm>>) target(%dma_start3A_232 : memref<624x128xbf16, #tpu.memory_space<vmem_shared>>) target_semaphore(%run_scoped3A : memref<!tpu.dma_semaphore, #tpu.memory_space<semaphore_mem>>)
      %dma_wait3A_236 = arith.constant 0 : i32
      %dma_wait3A_237 = tpu.memref_slice %arg30[%mul3A_4, %dma_wait3A_236] : memref<10000x128xbf16, #tpu.memory_space<vmem_shared>> -> memref<624x128xbf16, #tpu.memory_space<vmem_shared>>
      %dma_wait3A_238 = arith.constant 0 : i32
      %dma_wait3A_239 = arith.constant 0 : i32
      %dma_wait3A_240 = tpu.memref_slice %arg4[%dma_wait3A_238, %dma_wait3A_239] : memref<624x128xbf16, #tpu.memory_space<hbm>> -> memref<624x128xbf16, #tpu.memory_space<hbm>>
      tpu.wait_dma2 semaphore(%run_scoped3A : memref<!tpu.dma_semaphore, #tpu.memory_space<semaphore_mem>>) src(%dma_wait3A_240 : memref<624x128xbf16, #tpu.memory_space<hbm>>) dst(%dma_wait3A_237 : memref<624x128xbf16, #tpu.memory_space<vmem_shared>>)
      tpu.yield
    }) : () -> ()
    %eq3A = arith.constant 15 : i32
    %eq3A_5 = arith.cmpi eq, %arg1, %eq3A : i32
    %convert_element_type3A = arith.extui %eq3A_5 : i1 to i32
    %cond3A = arith.constant 0 : i32
    %cond3A_6 = arith.cmpi ne, %convert_element_type3A, %cond3A : i32
    scf.if %cond3A_6 {
      "tpu.region"() ({
        %run_scoped3A = tpu.sem_alloc : memref<!tpu.dma_semaphore, #tpu.memory_space<semaphore_mem>>
        %dma_start3A_231 = arith.constant 9984 : i32
        %dma_start3A_232 = arith.constant 0 : i32
        %dma_start3A_233 = tpu.memref_slice %arg30[%dma_start3A_231, %dma_start3A_232] : memref<10000x128xbf16, #tpu.memory_space<vmem_shared>> -> memref<16x128xbf16, #tpu.memory_space<vmem_shared>>
        %dma_start3A_234 = arith.constant 0 : i32
        %dma_start3A_235 = arith.constant 0 : i32
        %dma_start3A_236 = tpu.memref_slice %arg4[%dma_start3A_234, %dma_start3A_235] : memref<624x128xbf16, #tpu.memory_space<hbm>> -> memref<16x128xbf16, #tpu.memory_space<hbm>>
        tpu.enqueue_dma source(%dma_start3A_236 : memref<16x128xbf16, #tpu.memory_space<hbm>>) target(%dma_start3A_233 : memref<16x128xbf16, #tpu.memory_space<vmem_shared>>) target_semaphore(%run_scoped3A : memref<!tpu.dma_semaphore, #tpu.memory_space<semaphore_mem>>)
        %dma_wait3A_237 = arith.constant 9984 : i32
        %dma_wait3A_238 = arith.constant 0 : i32
        %dma_wait3A_239 = tpu.memref_slice %arg30[%dma_wait3A_237, %dma_wait3A_238] : memref<10000x128xbf16, #tpu.memory_space<vmem_shared>> -> memref<16x128xbf16, #tpu.memory_space<vmem_shared>>
        %dma_wait3A_240 = arith.constant 0 : i32
        %dma_wait3A_241 = arith.constant 0 : i32
        %dma_wait3A_242 = tpu.memref_slice %arg4[%dma_wait3A_240, %dma_wait3A_241] : memref<624x128xbf16, #tpu.memory_space<hbm>> -> memref<16x128xbf16, #tpu.memory_space<hbm>>
        tpu.wait_dma2 semaphore(%run_scoped3A : memref<!tpu.dma_semaphore, #tpu.memory_space<semaphore_mem>>) src(%dma_wait3A_242 : memref<16x128xbf16, #tpu.memory_space<hbm>>) dst(%dma_wait3A_239 : memref<16x128xbf16, #tpu.memory_space<vmem_shared>>)
        tpu.yield
      }) : () -> ()
    } else {
    }
    %add3A_7 = arith.constant 0 : i32
    %add3A_8 = arith.addi %mul3A_2, %add3A_7 : i32
    %dma_start3A = arith.constant 0 : i32
    %dma_start3A_9 = arith.constant 0 : i32
    %dma_start3A_10 = tpu.memref_slice %arg2[%add3A_8, %dma_start3A, %dma_start3A_9] : memref<2688x2x120xi32, #tpu.memory_space<hbm>> -> memref<1x2x120xi32, #tpu.memory_space<hbm>>
    %dma_start3A_11 = tpu.memref_squeeze %dma_start3A_10 : memref<1x2x120xi32, #tpu.memory_space<hbm>> -> memref<2x120xi32, #tpu.memory_space<hbm>>
    %dma_start3A_12 = arith.constant 0 : i32
    %dma_start3A_13 = arith.constant 0 : i32
    %dma_start3A_14 = tpu.memref_slice %arg2[%add3A_8, %dma_start3A_12, %dma_start3A_13] : memref<2688x2x120xi32, #tpu.memory_space<hbm>> -> memref<1x2x120xi32, #tpu.memory_space<hbm>>
    %dma_start3A_15 = tpu.memref_squeeze %dma_start3A_14 : memref<1x2x120xi32, #tpu.memory_space<hbm>> -> memref<2x120xi32, #tpu.memory_space<hbm>>
    tpu.enqueue_dma source(%dma_start3A_15 : memref<2x120xi32, #tpu.memory_space<hbm>>) target(%arg6 : memref<2x120xi32, #tpu.memory_space<vmem>>) target_semaphore(%arg18 : memref<!tpu.dma_semaphore, #tpu.memory_space<semaphore_mem>>)
    %add3A_16 = arith.constant 1 : i32
    %add3A_17 = arith.addi %mul3A_2, %add3A_16 : i32
    %dma_start3A_18 = arith.constant 0 : i32
    %dma_start3A_19 = arith.constant 0 : i32
    %dma_start3A_20 = tpu.memref_slice %arg2[%add3A_17, %dma_start3A_18, %dma_start3A_19] : memref<2688x2x120xi32, #tpu.memory_space<hbm>> -> memref<1x2x120xi32, #tpu.memory_space<hbm>>
    %dma_start3A_21 = tpu.memref_squeeze %dma_start3A_20 : memref<1x2x120xi32, #tpu.memory_space<hbm>> -> memref<2x120xi32, #tpu.memory_space<hbm>>
    %dma_start3A_22 = arith.constant 0 : i32
    %dma_start3A_23 = arith.constant 0 : i32
    %dma_start3A_24 = tpu.memref_slice %arg2[%add3A_17, %dma_start3A_22, %dma_start3A_23] : memref<2688x2x120xi32, #tpu.memory_space<hbm>> -> memref<1x2x120xi32, #tpu.memory_space<hbm>>
    %dma_start3A_25 = tpu.memref_squeeze %dma_start3A_24 : memref<1x2x120xi32, #tpu.memory_space<hbm>> -> memref<2x120xi32, #tpu.memory_space<hbm>>
    tpu.enqueue_dma source(%dma_start3A_25 : memref<2x120xi32, #tpu.memory_space<hbm>>) target(%arg7 : memref<2x120xi32, #tpu.memory_space<vmem>>) target_semaphore(%arg19 : memref<!tpu.dma_semaphore, #tpu.memory_space<semaphore_mem>>)
    %add3A_26 = arith.constant 2 : i32
    %add3A_27 = arith.addi %mul3A_2, %add3A_26 : i32
    %dma_start3A_28 = arith.constant 0 : i32
    %dma_start3A_29 = arith.constant 0 : i32
    %dma_start3A_30 = tpu.memref_slice %arg2[%add3A_27, %dma_start3A_28, %dma_start3A_29] : memref<2688x2x120xi32, #tpu.memory_space<hbm>> -> memref<1x2x120xi32, #tpu.memory_space<hbm>>
    %dma_start3A_31 = tpu.memref_squeeze %dma_start3A_30 : memref<1x2x120xi32, #tpu.memory_space<hbm>> -> memref<2x120xi32, #tpu.memory_space<hbm>>
    %dma_start3A_32 = arith.constant 0 : i32
    %dma_start3A_33 = arith.constant 0 : i32
    %dma_start3A_34 = tpu.memref_slice %arg2[%add3A_27, %dma_start3A_32, %dma_start3A_33] : memref<2688x2x120xi32, #tpu.memory_space<hbm>> -> memref<1x2x120xi32, #tpu.memory_space<hbm>>
    %dma_start3A_35 = tpu.memref_squeeze %dma_start3A_34 : memref<1x2x120xi32, #tpu.memory_space<hbm>> -> memref<2x120xi32, #tpu.memory_space<hbm>>
    tpu.enqueue_dma source(%dma_start3A_35 : memref<2x120xi32, #tpu.memory_space<hbm>>) target(%arg8 : memref<2x120xi32, #tpu.memory_space<vmem>>) target_semaphore(%arg20 : memref<!tpu.dma_semaphore, #tpu.memory_space<semaphore_mem>>)
    %add3A_36 = arith.constant 3 : i32
    %add3A_37 = arith.addi %mul3A_2, %add3A_36 : i32
    %dma_start3A_38 = arith.constant 0 : i32
    %dma_start3A_39 = arith.constant 0 : i32
    %dma_start3A_40 = tpu.memref_slice %arg2[%add3A_37, %dma_start3A_38, %dma_start3A_39] : memref<2688x2x120xi32, #tpu.memory_space<hbm>> -> memref<1x2x120xi32, #tpu.memory_space<hbm>>
    %dma_start3A_41 = tpu.memref_squeeze %dma_start3A_40 : memref<1x2x120xi32, #tpu.memory_space<hbm>> -> memref<2x120xi32, #tpu.memory_space<hbm>>
    %dma_start3A_42 = arith.constant 0 : i32
    %dma_start3A_43 = arith.constant 0 : i32
    %dma_start3A_44 = tpu.memref_slice %arg2[%add3A_37, %dma_start3A_42, %dma_start3A_43] : memref<2688x2x120xi32, #tpu.memory_space<hbm>> -> memref<1x2x120xi32, #tpu.memory_space<hbm>>
    %dma_start3A_45 = tpu.memref_squeeze %dma_start3A_44 : memref<1x2x120xi32, #tpu.memory_space<hbm>> -> memref<2x120xi32, #tpu.memory_space<hbm>>
    tpu.enqueue_dma source(%dma_start3A_45 : memref<2x120xi32, #tpu.memory_space<hbm>>) target(%arg9 : memref<2x120xi32, #tpu.memory_space<vmem>>) target_semaphore(%arg21 : memref<!tpu.dma_semaphore, #tpu.memory_space<semaphore_mem>>)
    %add3A_46 = arith.constant 4 : i32
    %add3A_47 = arith.addi %mul3A_2, %add3A_46 : i32
    %dma_start3A_48 = arith.constant 0 : i32
    %dma_start3A_49 = arith.constant 0 : i32
    %dma_start3A_50 = tpu.memref_slice %arg2[%add3A_47, %dma_start3A_48, %dma_start3A_49] : memref<2688x2x120xi32, #tpu.memory_space<hbm>> -> memref<1x2x120xi32, #tpu.memory_space<hbm>>
    %dma_start3A_51 = tpu.memref_squeeze %dma_start3A_50 : memref<1x2x120xi32, #tpu.memory_space<hbm>> -> memref<2x120xi32, #tpu.memory_space<hbm>>
    %dma_start3A_52 = arith.constant 0 : i32
    %dma_start3A_53 = arith.constant 0 : i32
    %dma_start3A_54 = tpu.memref_slice %arg2[%add3A_47, %dma_start3A_52, %dma_start3A_53] : memref<2688x2x120xi32, #tpu.memory_space<hbm>> -> memref<1x2x120xi32, #tpu.memory_space<hbm>>
    %dma_start3A_55 = tpu.memref_squeeze %dma_start3A_54 : memref<1x2x120xi32, #tpu.memory_space<hbm>> -> memref<2x120xi32, #tpu.memory_space<hbm>>
    tpu.enqueue_dma source(%dma_start3A_55 : memref<2x120xi32, #tpu.memory_space<hbm>>) target(%arg10 : memref<2x120xi32, #tpu.memory_space<vmem>>) target_semaphore(%arg22 : memref<!tpu.dma_semaphore, #tpu.memory_space<semaphore_mem>>)
    %add3A_56 = arith.constant 5 : i32
    %add3A_57 = arith.addi %mul3A_2, %add3A_56 : i32
    %dma_start3A_58 = arith.constant 0 : i32
    %dma_start3A_59 = arith.constant 0 : i32
    %dma_start3A_60 = tpu.memref_slice %arg2[%add3A_57, %dma_start3A_58, %dma_start3A_59] : memref<2688x2x120xi32, #tpu.memory_space<hbm>> -> memref<1x2x120xi32, #tpu.memory_space<hbm>>
    %dma_start3A_61 = tpu.memref_squeeze %dma_start3A_60 : memref<1x2x120xi32, #tpu.memory_space<hbm>> -> memref<2x120xi32, #tpu.memory_space<hbm>>
    %dma_start3A_62 = arith.constant 0 : i32
    %dma_start3A_63 = arith.constant 0 : i32
    %dma_start3A_64 = tpu.memref_slice %arg2[%add3A_57, %dma_start3A_62, %dma_start3A_63] : memref<2688x2x120xi32, #tpu.memory_space<hbm>> -> memref<1x2x120xi32, #tpu.memory_space<hbm>>
    %dma_start3A_65 = tpu.memref_squeeze %dma_start3A_64 : memref<1x2x120xi32, #tpu.memory_space<hbm>> -> memref<2x120xi32, #tpu.memory_space<hbm>>
    tpu.enqueue_dma source(%dma_start3A_65 : memref<2x120xi32, #tpu.memory_space<hbm>>) target(%arg11 : memref<2x120xi32, #tpu.memory_space<vmem>>) target_semaphore(%arg23 : memref<!tpu.dma_semaphore, #tpu.memory_space<semaphore_mem>>)
    %dma_wait3A = arith.constant 0 : i32
    %dma_wait3A_66 = arith.constant 0 : i32
    %dma_wait3A_67 = arith.constant 0 : i32
    %dma_wait3A_68 = tpu.memref_slice %arg2[%dma_wait3A, %dma_wait3A_66, %dma_wait3A_67] : memref<2688x2x120xi32, #tpu.memory_space<hbm>> -> memref<1x2x120xi32, #tpu.memory_space<hbm>>
    %dma_wait3A_69 = tpu.memref_squeeze %dma_wait3A_68 : memref<1x2x120xi32, #tpu.memory_space<hbm>> -> memref<2x120xi32, #tpu.memory_space<hbm>>
    %dma_wait3A_70 = arith.constant 0 : i32
    %dma_wait3A_71 = arith.constant 0 : i32
    %dma_wait3A_72 = tpu.memref_slice %arg2[%dma_wait3A, %dma_wait3A_70, %dma_wait3A_71] : memref<2688x2x120xi32, #tpu.memory_space<hbm>> -> memref<1x2x120xi32, #tpu.memory_space<hbm>>
    %dma_wait3A_73 = tpu.memref_squeeze %dma_wait3A_72 : memref<1x2x120xi32, #tpu.memory_space<hbm>> -> memref<2x120xi32, #tpu.memory_space<hbm>>
    tpu.wait_dma2 semaphore(%arg18 : memref<!tpu.dma_semaphore, #tpu.memory_space<semaphore_mem>>) src(%dma_wait3A_73 : memref<2x120xi32, #tpu.memory_space<hbm>>) dst(%arg6 : memref<2x120xi32, #tpu.memory_space<vmem>>)
    %dma_start3A_74 = arith.constant 0 : i32
    %dma_start3A_75 = arith.constant 0 : i32
    %dma_start3A_76 = arith.constant 0 : i32
    %dma_start3A_77 = tpu.memref_slice %arg12[%dma_start3A_75, %dma_start3A_76] : memref<120x128xbf16, #tpu.memory_space<vmem>> -> memref<64x128xbf16, #tpu.memory_space<vmem>>
    %dma_start3A_78 = arith.constant 0 : i32
    %dma_start3A_79 = tpu.memref_slice %arg6[%dma_start3A_74, %dma_start3A_78] : memref<2x120xi32, #tpu.memory_space<vmem>> -> memref<1x64xi32, #tpu.memory_space<vmem>>
    %dma_start3A_80 = tpu.memref_squeeze %dma_start3A_79 : memref<1x64xi32, #tpu.memory_space<vmem>> -> memref<64xi32, #tpu.memory_space<vmem>>
    %dma_start3A_81 = arith.constant 0 : i32
    %dma_start3A_82 = arith.constant 0 : i32
    %dma_start3A_83 = tpu.memref_slice %arg3[%dma_start3A_81, %dma_start3A_82] : memref<10008x128xbf16, #tpu.memory_space<hbm>> -> memref<10008x128xbf16, #tpu.memory_space<hbm>>
    tpu.enqueue_indirect_dma source(%dma_start3A_83 : memref<10008x128xbf16, #tpu.memory_space<hbm>>) target(%dma_start3A_77 : memref<64x128xbf16, #tpu.memory_space<vmem>>) offsets(%dma_start3A_80 : memref<64xi32, #tpu.memory_space<vmem>>) semaphore(%arg24 : memref<!tpu.dma_semaphore, #tpu.memory_space<semaphore_mem>>)
    %dma_start3A_84 = arith.constant 0 : i32
    %dma_start3A_85 = arith.constant 64 : i32
    %dma_start3A_86 = arith.constant 0 : i32
    %dma_start3A_87 = tpu.memref_slice %arg12[%dma_start3A_85, %dma_start3A_86] : memref<120x128xbf16, #tpu.memory_space<vmem>> -> memref<56x128xbf16, #tpu.memory_space<vmem>>
    %dma_start3A_88 = arith.constant 64 : i32
    %dma_start3A_89 = tpu.memref_slice %arg6[%dma_start3A_84, %dma_start3A_88] : memref<2x120xi32, #tpu.memory_space<vmem>> -> memref<1x56xi32, #tpu.memory_space<vmem>>
    %dma_start3A_90 = tpu.memref_squeeze %dma_start3A_89 : memref<1x56xi32, #tpu.memory_space<vmem>> -> memref<56xi32, #tpu.memory_space<vmem>>
    %dma_start3A_91 = arith.constant 0 : i32
    %dma_start3A_92 = arith.constant 0 : i32
    %dma_start3A_93 = tpu.memref_slice %arg3[%dma_start3A_91, %dma_start3A_92] : memref<10008x128xbf16, #tpu.memory_space<hbm>> -> memref<10008x128xbf16, #tpu.memory_space<hbm>>
    tpu.enqueue_indirect_dma source(%dma_start3A_93 : memref<10008x128xbf16, #tpu.memory_space<hbm>>) target(%dma_start3A_87 : memref<56x128xbf16, #tpu.memory_space<vmem>>) offsets(%dma_start3A_90 : memref<56xi32, #tpu.memory_space<vmem>>) semaphore(%arg24 : memref<!tpu.dma_semaphore, #tpu.memory_space<semaphore_mem>>)
    %dma_wait3A_94 = arith.constant 0 : i32
    %dma_wait3A_95 = arith.constant 0 : i32
    %dma_wait3A_96 = arith.constant 0 : i32
    %dma_wait3A_97 = tpu.memref_slice %arg2[%dma_wait3A_94, %dma_wait3A_95, %dma_wait3A_96] : memref<2688x2x120xi32, #tpu.memory_space<hbm>> -> memref<1x2x120xi32, #tpu.memory_space<hbm>>
    %dma_wait3A_98 = tpu.memref_squeeze %dma_wait3A_97 : memref<1x2x120xi32, #tpu.memory_space<hbm>> -> memref<2x120xi32, #tpu.memory_space<hbm>>
    %dma_wait3A_99 = arith.constant 0 : i32
    %dma_wait3A_100 = arith.constant 0 : i32
    %dma_wait3A_101 = tpu.memref_slice %arg2[%dma_wait3A_94, %dma_wait3A_99, %dma_wait3A_100] : memref<2688x2x120xi32, #tpu.memory_space<hbm>> -> memref<1x2x120xi32, #tpu.memory_space<hbm>>
    %dma_wait3A_102 = tpu.memref_squeeze %dma_wait3A_101 : memref<1x2x120xi32, #tpu.memory_space<hbm>> -> memref<2x120xi32, #tpu.memory_space<hbm>>
    tpu.wait_dma2 semaphore(%arg19 : memref<!tpu.dma_semaphore, #tpu.memory_space<semaphore_mem>>) src(%dma_wait3A_102 : memref<2x120xi32, #tpu.memory_space<hbm>>) dst(%arg7 : memref<2x120xi32, #tpu.memory_space<vmem>>)
    %dma_start3A_103 = arith.constant 0 : i32
    %dma_start3A_104 = arith.constant 0 : i32
    %dma_start3A_105 = arith.constant 0 : i32
    %dma_start3A_106 = tpu.memref_slice %arg13[%dma_start3A_104, %dma_start3A_105] : memref<120x128xbf16, #tpu.memory_space<vmem>> -> memref<64x128xbf16, #tpu.memory_space<vmem>>
    %dma_start3A_107 = arith.constant 0 : i32
    %dma_start3A_108 = tpu.memref_slice %arg7[%dma_start3A_103, %dma_start3A_107] : memref<2x120xi32, #tpu.memory_space<vmem>> -> memref<1x64xi32, #tpu.memory_space<vmem>>
    %dma_start3A_109 = tpu.memref_squeeze %dma_start3A_108 : memref<1x64xi32, #tpu.memory_space<vmem>> -> memref<64xi32, #tpu.memory_space<vmem>>
    %dma_start3A_110 = arith.constant 0 : i32
    %dma_start3A_111 = arith.constant 0 : i32
    %dma_start3A_112 = tpu.memref_slice %arg3[%dma_start3A_110, %dma_start3A_111] : memref<10008x128xbf16, #tpu.memory_space<hbm>> -> memref<10008x128xbf16, #tpu.memory_space<hbm>>
    tpu.enqueue_indirect_dma source(%dma_start3A_112 : memref<10008x128xbf16, #tpu.memory_space<hbm>>) target(%dma_start3A_106 : memref<64x128xbf16, #tpu.memory_space<vmem>>) offsets(%dma_start3A_109 : memref<64xi32, #tpu.memory_space<vmem>>) semaphore(%arg25 : memref<!tpu.dma_semaphore, #tpu.memory_space<semaphore_mem>>)
    %dma_start3A_113 = arith.constant 0 : i32
    %dma_start3A_114 = arith.constant 64 : i32
    %dma_start3A_115 = arith.constant 0 : i32
    %dma_start3A_116 = tpu.memref_slice %arg13[%dma_start3A_114, %dma_start3A_115] : memref<120x128xbf16, #tpu.memory_space<vmem>> -> memref<56x128xbf16, #tpu.memory_space<vmem>>
    %dma_start3A_117 = arith.constant 64 : i32
    %dma_start3A_118 = tpu.memref_slice %arg7[%dma_start3A_113, %dma_start3A_117] : memref<2x120xi32, #tpu.memory_space<vmem>> -> memref<1x56xi32, #tpu.memory_space<vmem>>
    %dma_start3A_119 = tpu.memref_squeeze %dma_start3A_118 : memref<1x56xi32, #tpu.memory_space<vmem>> -> memref<56xi32, #tpu.memory_space<vmem>>
    %dma_start3A_120 = arith.constant 0 : i32
    %dma_start3A_121 = arith.constant 0 : i32
    %dma_start3A_122 = tpu.memref_slice %arg3[%dma_start3A_120, %dma_start3A_121] : memref<10008x128xbf16, #tpu.memory_space<hbm>> -> memref<10008x128xbf16, #tpu.memory_space<hbm>>
    tpu.enqueue_indirect_dma source(%dma_start3A_122 : memref<10008x128xbf16, #tpu.memory_space<hbm>>) target(%dma_start3A_116 : memref<56x128xbf16, #tpu.memory_space<vmem>>) offsets(%dma_start3A_119 : memref<56xi32, #tpu.memory_space<vmem>>) semaphore(%arg25 : memref<!tpu.dma_semaphore, #tpu.memory_space<semaphore_mem>>)
    %dma_wait3A_123 = arith.constant 0 : i32
    %dma_wait3A_124 = arith.constant 0 : i32
    %dma_wait3A_125 = arith.constant 0 : i32
    %dma_wait3A_126 = tpu.memref_slice %arg2[%dma_wait3A_123, %dma_wait3A_124, %dma_wait3A_125] : memref<2688x2x120xi32, #tpu.memory_space<hbm>> -> memref<1x2x120xi32, #tpu.memory_space<hbm>>
    %dma_wait3A_127 = tpu.memref_squeeze %dma_wait3A_126 : memref<1x2x120xi32, #tpu.memory_space<hbm>> -> memref<2x120xi32, #tpu.memory_space<hbm>>
    %dma_wait3A_128 = arith.constant 0 : i32
    %dma_wait3A_129 = arith.constant 0 : i32
    %dma_wait3A_130 = tpu.memref_slice %arg2[%dma_wait3A_123, %dma_wait3A_128, %dma_wait3A_129] : memref<2688x2x120xi32, #tpu.memory_space<hbm>> -> memref<1x2x120xi32, #tpu.memory_space<hbm>>
    %dma_wait3A_131 = tpu.memref_squeeze %dma_wait3A_130 : memref<1x2x120xi32, #tpu.memory_space<hbm>> -> memref<2x120xi32, #tpu.memory_space<hbm>>
    tpu.wait_dma2 semaphore(%arg20 : memref<!tpu.dma_semaphore, #tpu.memory_space<semaphore_mem>>) src(%dma_wait3A_131 : memref<2x120xi32, #tpu.memory_space<hbm>>) dst(%arg8 : memref<2x120xi32, #tpu.memory_space<vmem>>)
    %dma_start3A_132 = arith.constant 0 : i32
    %dma_start3A_133 = arith.constant 0 : i32
    %dma_start3A_134 = arith.constant 0 : i32
    %dma_start3A_135 = tpu.memref_slice %arg14[%dma_start3A_133, %dma_start3A_134] : memref<120x128xbf16, #tpu.memory_space<vmem>> -> memref<64x128xbf16, #tpu.memory_space<vmem>>
    %dma_start3A_136 = arith.constant 0 : i32
    %dma_start3A_137 = tpu.memref_slice %arg8[%dma_start3A_132, %dma_start3A_136] : memref<2x120xi32, #tpu.memory_space<vmem>> -> memref<1x64xi32, #tpu.memory_space<vmem>>
    %dma_start3A_138 = tpu.memref_squeeze %dma_start3A_137 : memref<1x64xi32, #tpu.memory_space<vmem>> -> memref<64xi32, #tpu.memory_space<vmem>>
    %dma_start3A_139 = arith.constant 0 : i32
    %dma_start3A_140 = arith.constant 0 : i32
    %dma_start3A_141 = tpu.memref_slice %arg3[%dma_start3A_139, %dma_start3A_140] : memref<10008x128xbf16, #tpu.memory_space<hbm>> -> memref<10008x128xbf16, #tpu.memory_space<hbm>>
    tpu.enqueue_indirect_dma source(%dma_start3A_141 : memref<10008x128xbf16, #tpu.memory_space<hbm>>) target(%dma_start3A_135 : memref<64x128xbf16, #tpu.memory_space<vmem>>) offsets(%dma_start3A_138 : memref<64xi32, #tpu.memory_space<vmem>>) semaphore(%arg26 : memref<!tpu.dma_semaphore, #tpu.memory_space<semaphore_mem>>)
    %dma_start3A_142 = arith.constant 0 : i32
    %dma_start3A_143 = arith.constant 64 : i32
    %dma_start3A_144 = arith.constant 0 : i32
    %dma_start3A_145 = tpu.memref_slice %arg14[%dma_start3A_143, %dma_start3A_144] : memref<120x128xbf16, #tpu.memory_space<vmem>> -> memref<56x128xbf16, #tpu.memory_space<vmem>>
    %dma_start3A_146 = arith.constant 64 : i32
    %dma_start3A_147 = tpu.memref_slice %arg8[%dma_start3A_142, %dma_start3A_146] : memref<2x120xi32, #tpu.memory_space<vmem>> -> memref<1x56xi32, #tpu.memory_space<vmem>>
    %dma_start3A_148 = tpu.memref_squeeze %dma_start3A_147 : memref<1x56xi32, #tpu.memory_space<vmem>> -> memref<56xi32, #tpu.memory_space<vmem>>
    %dma_start3A_149 = arith.constant 0 : i32
    %dma_start3A_150 = arith.constant 0 : i32
    %dma_start3A_151 = tpu.memref_slice %arg3[%dma_start3A_149, %dma_start3A_150] : memref<10008x128xbf16, #tpu.memory_space<hbm>> -> memref<10008x128xbf16, #tpu.memory_space<hbm>>
    tpu.enqueue_indirect_dma source(%dma_start3A_151 : memref<10008x128xbf16, #tpu.memory_space<hbm>>) target(%dma_start3A_145 : memref<56x128xbf16, #tpu.memory_space<vmem>>) offsets(%dma_start3A_148 : memref<56xi32, #tpu.memory_space<vmem>>) semaphore(%arg26 : memref<!tpu.dma_semaphore, #tpu.memory_space<semaphore_mem>>)
    %dma_wait3A_152 = arith.constant 0 : i32
    %dma_wait3A_153 = arith.constant 0 : i32
    %dma_wait3A_154 = arith.constant 0 : i32
    %dma_wait3A_155 = tpu.memref_slice %arg2[%dma_wait3A_152, %dma_wait3A_153, %dma_wait3A_154] : memref<2688x2x120xi32, #tpu.memory_space<hbm>> -> memref<1x2x120xi32, #tpu.memory_space<hbm>>
    %dma_wait3A_156 = tpu.memref_squeeze %dma_wait3A_155 : memref<1x2x120xi32, #tpu.memory_space<hbm>> -> memref<2x120xi32, #tpu.memory_space<hbm>>
    %dma_wait3A_157 = arith.constant 0 : i32
    %dma_wait3A_158 = arith.constant 0 : i32
    %dma_wait3A_159 = tpu.memref_slice %arg2[%dma_wait3A_152, %dma_wait3A_157, %dma_wait3A_158] : memref<2688x2x120xi32, #tpu.memory_space<hbm>> -> memref<1x2x120xi32, #tpu.memory_space<hbm>>
    %dma_wait3A_160 = tpu.memref_squeeze %dma_wait3A_159 : memref<1x2x120xi32, #tpu.memory_space<hbm>> -> memref<2x120xi32, #tpu.memory_space<hbm>>
    tpu.wait_dma2 semaphore(%arg21 : memref<!tpu.dma_semaphore, #tpu.memory_space<semaphore_mem>>) src(%dma_wait3A_160 : memref<2x120xi32, #tpu.memory_space<hbm>>) dst(%arg9 : memref<2x120xi32, #tpu.memory_space<vmem>>)
    %dma_start3A_161 = arith.constant 0 : i32
    %dma_start3A_162 = arith.constant 0 : i32
    %dma_start3A_163 = arith.constant 0 : i32
    %dma_start3A_164 = tpu.memref_slice %arg15[%dma_start3A_162, %dma_start3A_163] : memref<120x128xbf16, #tpu.memory_space<vmem>> -> memref<64x128xbf16, #tpu.memory_space<vmem>>
    %dma_start3A_165 = arith.constant 0 : i32
    %dma_start3A_166 = tpu.memref_slice %arg9[%dma_start3A_161, %dma_start3A_165] : memref<2x120xi32, #tpu.memory_space<vmem>> -> memref<1x64xi32, #tpu.memory_space<vmem>>
    %dma_start3A_167 = tpu.memref_squeeze %dma_start3A_166 : memref<1x64xi32, #tpu.memory_space<vmem>> -> memref<64xi32, #tpu.memory_space<vmem>>
    %dma_start3A_168 = arith.constant 0 : i32
    %dma_start3A_169 = arith.constant 0 : i32
    %dma_start3A_170 = tpu.memref_slice %arg3[%dma_start3A_168, %dma_start3A_169] : memref<10008x128xbf16, #tpu.memory_space<hbm>> -> memref<10008x128xbf16, #tpu.memory_space<hbm>>
    tpu.enqueue_indirect_dma source(%dma_start3A_170 : memref<10008x128xbf16, #tpu.memory_space<hbm>>) target(%dma_start3A_164 : memref<64x128xbf16, #tpu.memory_space<vmem>>) offsets(%dma_start3A_167 : memref<64xi32, #tpu.memory_space<vmem>>) semaphore(%arg27 : memref<!tpu.dma_semaphore, #tpu.memory_space<semaphore_mem>>)
    %dma_start3A_171 = arith.constant 0 : i32
    %dma_start3A_172 = arith.constant 64 : i32
    %dma_start3A_173 = arith.constant 0 : i32
    %dma_start3A_174 = tpu.memref_slice %arg15[%dma_start3A_172, %dma_start3A_173] : memref<120x128xbf16, #tpu.memory_space<vmem>> -> memref<56x128xbf16, #tpu.memory_space<vmem>>
    %dma_start3A_175 = arith.constant 64 : i32
    %dma_start3A_176 = tpu.memref_slice %arg9[%dma_start3A_171, %dma_start3A_175] : memref<2x120xi32, #tpu.memory_space<vmem>> -> memref<1x56xi32, #tpu.memory_space<vmem>>
    %dma_start3A_177 = tpu.memref_squeeze %dma_start3A_176 : memref<1x56xi32, #tpu.memory_space<vmem>> -> memref<56xi32, #tpu.memory_space<vmem>>
    %dma_start3A_178 = arith.constant 0 : i32
    %dma_start3A_179 = arith.constant 0 : i32
    %dma_start3A_180 = tpu.memref_slice %arg3[%dma_start3A_178, %dma_start3A_179] : memref<10008x128xbf16, #tpu.memory_space<hbm>> -> memref<10008x128xbf16, #tpu.memory_space<hbm>>
    tpu.enqueue_indirect_dma source(%dma_start3A_180 : memref<10008x128xbf16, #tpu.memory_space<hbm>>) target(%dma_start3A_174 : memref<56x128xbf16, #tpu.memory_space<vmem>>) offsets(%dma_start3A_177 : memref<56xi32, #tpu.memory_space<vmem>>) semaphore(%arg27 : memref<!tpu.dma_semaphore, #tpu.memory_space<semaphore_mem>>)
    %dma_wait3A_181 = arith.constant 0 : i32
    %dma_wait3A_182 = arith.constant 0 : i32
    %dma_wait3A_183 = arith.constant 0 : i32
    %dma_wait3A_184 = tpu.memref_slice %arg2[%dma_wait3A_181, %dma_wait3A_182, %dma_wait3A_183] : memref<2688x2x120xi32, #tpu.memory_space<hbm>> -> memref<1x2x120xi32, #tpu.memory_space<hbm>>
    %dma_wait3A_185 = tpu.memref_squeeze %dma_wait3A_184 : memref<1x2x120xi32, #tpu.memory_space<hbm>> -> memref<2x120xi32, #tpu.memory_space<hbm>>
    %dma_wait3A_186 = arith.constant 0 : i32
    %dma_wait3A_187 = arith.constant 0 : i32
    %dma_wait3A_188 = tpu.memref_slice %arg2[%dma_wait3A_181, %dma_wait3A_186, %dma_wait3A_187] : memref<2688x2x120xi32, #tpu.memory_space<hbm>> -> memref<1x2x120xi32, #tpu.memory_space<hbm>>
    %dma_wait3A_189 = tpu.memref_squeeze %dma_wait3A_188 : memref<1x2x120xi32, #tpu.memory_space<hbm>> -> memref<2x120xi32, #tpu.memory_space<hbm>>
    tpu.wait_dma2 semaphore(%arg22 : memref<!tpu.dma_semaphore, #tpu.memory_space<semaphore_mem>>) src(%dma_wait3A_189 : memref<2x120xi32, #tpu.memory_space<hbm>>) dst(%arg10 : memref<2x120xi32, #tpu.memory_space<vmem>>)
    %dma_start3A_190 = arith.constant 0 : i32
    %dma_start3A_191 = arith.constant 0 : i32
    %dma_start3A_192 = arith.constant 0 : i32
    %dma_start3A_193 = tpu.memref_slice %arg16[%dma_start3A_191, %dma_start3A_192] : memref<120x128xbf16, #tpu.memory_space<vmem>> -> memref<64x128xbf16, #tpu.memory_space<vmem>>
    %dma_start3A_194 = arith.constant 0 : i32
    %dma_start3A_195 = tpu.memref_slice %arg10[%dma_start3A_190, %dma_start3A_194] : memref<2x120xi32, #tpu.memory_space<vmem>> -> memref<1x64xi32, #tpu.memory_space<vmem>>
    %dma_start3A_196 = tpu.memref_squeeze %dma_start3A_195 : memref<1x64xi32, #tpu.memory_space<vmem>> -> memref<64xi32, #tpu.memory_space<vmem>>
    %dma_start3A_197 = arith.constant 0 : i32
    %dma_start3A_198 = arith.constant 0 : i32
    %dma_start3A_199 = tpu.memref_slice %arg3[%dma_start3A_197, %dma_start3A_198] : memref<10008x128xbf16, #tpu.memory_space<hbm>> -> memref<10008x128xbf16, #tpu.memory_space<hbm>>
    tpu.enqueue_indirect_dma source(%dma_start3A_199 : memref<10008x128xbf16, #tpu.memory_space<hbm>>) target(%dma_start3A_193 : memref<64x128xbf16, #tpu.memory_space<vmem>>) offsets(%dma_start3A_196 : memref<64xi32, #tpu.memory_space<vmem>>) semaphore(%arg28 : memref<!tpu.dma_semaphore, #tpu.memory_space<semaphore_mem>>)
    %dma_start3A_200 = arith.constant 0 : i32
    %dma_start3A_201 = arith.constant 64 : i32
    %dma_start3A_202 = arith.constant 0 : i32
    %dma_start3A_203 = tpu.memref_slice %arg16[%dma_start3A_201, %dma_start3A_202] : memref<120x128xbf16, #tpu.memory_space<vmem>> -> memref<56x128xbf16, #tpu.memory_space<vmem>>
    %dma_start3A_204 = arith.constant 64 : i32
    %dma_start3A_205 = tpu.memref_slice %arg10[%dma_start3A_200, %dma_start3A_204] : memref<2x120xi32, #tpu.memory_space<vmem>> -> memref<1x56xi32, #tpu.memory_space<vmem>>
    %dma_start3A_206 = tpu.memref_squeeze %dma_start3A_205 : memref<1x56xi32, #tpu.memory_space<vmem>> -> memref<56xi32, #tpu.memory_space<vmem>>
    %dma_start3A_207 = arith.constant 0 : i32
    %dma_start3A_208 = arith.constant 0 : i32
    %dma_start3A_209 = tpu.memref_slice %arg3[%dma_start3A_207, %dma_start3A_208] : memref<10008x128xbf16, #tpu.memory_space<hbm>> -> memref<10008x128xbf16, #tpu.memory_space<hbm>>
    tpu.enqueue_indirect_dma source(%dma_start3A_209 : memref<10008x128xbf16, #tpu.memory_space<hbm>>) target(%dma_start3A_203 : memref<56x128xbf16, #tpu.memory_space<vmem>>) offsets(%dma_start3A_206 : memref<56xi32, #tpu.memory_space<vmem>>) semaphore(%arg28 : memref<!tpu.dma_semaphore, #tpu.memory_space<semaphore_mem>>)
    %barrier3A = arith.constant 0 : index
    tpu.barrier barrier_id(%barrier3A)
    %scan3A = arith.constant 0 : i32
    %scan3A_210 = arith.constant 1 : i32
    %scan3A_211 = arith.constant 1 : i32
    %scan3A_212 = arith.constant 1 : i32
    %scan3A_213 = arith.constant 1 : i32
    %scan3A_214 = arith.constant 1 : i32
    %scan3A_215 = arith.constant 1 : i32
    %scan3A_216 = arith.constant 0 : i32
    %scan3A_217 = arith.constant 14 : i32
    %scan3A_218 = arith.addi %scan3A_216, %scan3A_217 : i32
    %scan3A_219 = arith.constant 1 : i32
    scf.for %scan3A_231 = %scan3A_216 to %scan3A_218 step %scan3A_219  : i32 {
      %mul3A_232 = arith.constant 6 : i32
      %mul3A_233 = arith.muli %scan3A_231, %mul3A_232 : i32
      %add3A_234 = arith.constant 0 : i32
      %add3A_235 = arith.addi %mul3A_233, %add3A_234 : i32
      %dma_wait3A_236 = arith.constant 0 : i32
      %dma_wait3A_237 = arith.constant 0 : i32
      %dma_wait3A_238 = arith.constant 0 : i32
      %dma_wait3A_239 = tpu.memref_slice %arg12[%dma_wait3A_237, %dma_wait3A_238] : memref<120x128xbf16, #tpu.memory_space<vmem>> -> memref<64x128xbf16, #tpu.memory_space<vmem>>
      %dma_wait3A_240 = arith.constant 0 : i32
      %dma_wait3A_241 = tpu.memref_slice %arg6[%dma_wait3A_236, %dma_wait3A_240] : memref<2x120xi32, #tpu.memory_space<vmem>> -> memref<1x64xi32, #tpu.memory_space<vmem>>
      %dma_wait3A_242 = tpu.memref_squeeze %dma_wait3A_241 : memref<1x64xi32, #tpu.memory_space<vmem>> -> memref<64xi32, #tpu.memory_space<vmem>>
      %dma_wait3A_243 = arith.constant 0 : i32
      %dma_wait3A_244 = arith.constant 0 : i32
      %dma_wait3A_245 = tpu.memref_slice %arg3[%dma_wait3A_243, %dma_wait3A_244] : memref<10008x128xbf16, #tpu.memory_space<hbm>> -> memref<10008x128xbf16, #tpu.memory_space<hbm>>
      tpu.wait_indirect_dma semaphore(%arg24 : memref<!tpu.dma_semaphore, #tpu.memory_space<semaphore_mem>>) src(%dma_wait3A_245 : memref<10008x128xbf16, #tpu.memory_space<hbm>>) dst(%dma_wait3A_239 : memref<64x128xbf16, #tpu.memory_space<vmem>>)
      %dma_wait3A_246 = arith.constant 0 : i32
      %dma_wait3A_247 = arith.constant 64 : i32
      %dma_wait3A_248 = arith.constant 0 : i32
      %dma_wait3A_249 = tpu.memref_slice %arg12[%dma_wait3A_247, %dma_wait3A_248] : memref<120x128xbf16, #tpu.memory_space<vmem>> -> memref<56x128xbf16, #tpu.memory_space<vmem>>
      %dma_wait3A_250 = arith.constant 64 : i32
      %dma_wait3A_251 = tpu.memref_slice %arg6[%dma_wait3A_246, %dma_wait3A_250] : memref<2x120xi32, #tpu.memory_space<vmem>> -> memref<1x56xi32, #tpu.memory_space<vmem>>
      %dma_wait3A_252 = tpu.memref_squeeze %dma_wait3A_251 : memref<1x56xi32, #tpu.memory_space<vmem>> -> memref<56xi32, #tpu.memory_space<vmem>>
      %dma_wait3A_253 = arith.constant 0 : i32
      %dma_wait3A_254 = arith.constant 0 : i32
      %dma_wait3A_255 = tpu.memref_slice %arg3[%dma_wait3A_253, %dma_wait3A_254] : memref<10008x128xbf16, #tpu.memory_space<hbm>> -> memref<10008x128xbf16, #tpu.memory_space<hbm>>
      tpu.wait_indirect_dma semaphore(%arg24 : memref<!tpu.dma_semaphore, #tpu.memory_space<semaphore_mem>>) src(%dma_wait3A_255 : memref<10008x128xbf16, #tpu.memory_space<hbm>>) dst(%dma_wait3A_249 : memref<56x128xbf16, #tpu.memory_space<vmem>>)
      %add3A_256 = arith.constant 6 : i32
      %add3A_257 = arith.addi %add3A_235, %add3A_256 : i32
      %sub3A = arith.constant 1 : i32
      %sub3A_258 = arith.subi %add3A_257, %sub3A : i32
      %lt3A = arith.constant 84 : i32
      %lt3A_259 = arith.cmpi slt, %sub3A_258, %lt3A : i32
      %convert_element_type3A_260 = arith.extui %lt3A_259 : i1 to i32
      %cond3A_261 = arith.constant 0 : i32
      %cond3A_262 = arith.cmpi ne, %convert_element_type3A_260, %cond3A_261 : i32
      scf.if %cond3A_262 {
        %dma_wait3A_470 = arith.constant 0 : i32
        %dma_wait3A_471 = arith.constant 0 : i32
        %dma_wait3A_472 = arith.constant 0 : i32
        %dma_wait3A_473 = tpu.memref_slice %arg2[%dma_wait3A_470, %dma_wait3A_471, %dma_wait3A_472] : memref<2688x2x120xi32, #tpu.memory_space<hbm>> -> memref<1x2x120xi32, #tpu.memory_space<hbm>>
        %dma_wait3A_474 = tpu.memref_squeeze %dma_wait3A_473 : memref<1x2x120xi32, #tpu.memory_space<hbm>> -> memref<2x120xi32, #tpu.memory_space<hbm>>
        %dma_wait3A_475 = arith.constant 0 : i32
        %dma_wait3A_476 = arith.constant 0 : i32
        %dma_wait3A_477 = tpu.memref_slice %arg2[%dma_wait3A_470, %dma_wait3A_475, %dma_wait3A_476] : memref<2688x2x120xi32, #tpu.memory_space<hbm>> -> memref<1x2x120xi32, #tpu.memory_space<hbm>>
        %dma_wait3A_478 = tpu.memref_squeeze %dma_wait3A_477 : memref<1x2x120xi32, #tpu.memory_space<hbm>> -> memref<2x120xi32, #tpu.memory_space<hbm>>
        tpu.wait_dma2 semaphore(%arg23 : memref<!tpu.dma_semaphore, #tpu.memory_space<semaphore_mem>>) src(%dma_wait3A_478 : memref<2x120xi32, #tpu.memory_space<hbm>>) dst(%arg11 : memref<2x120xi32, #tpu.memory_space<vmem>>)
        %dma_start3A_479 = arith.constant 0 : i32
        %dma_start3A_480 = arith.constant 0 : i32
        %dma_start3A_481 = arith.constant 0 : i32
        %dma_start3A_482 = tpu.memref_slice %arg17[%dma_start3A_480, %dma_start3A_481] : memref<120x128xbf16, #tpu.memory_space<vmem>> -> memref<64x128xbf16, #tpu.memory_space<vmem>>
        %dma_start3A_483 = arith.constant 0 : i32
        %dma_start3A_484 = tpu.memref_slice %arg11[%dma_start3A_479, %dma_start3A_483] : memref<2x120xi32, #tpu.memory_space<vmem>> -> memref<1x64xi32, #tpu.memory_space<vmem>>
        %dma_start3A_485 = tpu.memref_squeeze %dma_start3A_484 : memref<1x64xi32, #tpu.memory_space<vmem>> -> memref<64xi32, #tpu.memory_space<vmem>>
        %dma_start3A_486 = arith.constant 0 : i32
        %dma_start3A_487 = arith.constant 0 : i32
        %dma_start3A_488 = tpu.memref_slice %arg3[%dma_start3A_486, %dma_start3A_487] : memref<10008x128xbf16, #tpu.memory_space<hbm>> -> memref<10008x128xbf16, #tpu.memory_space<hbm>>
        tpu.enqueue_indirect_dma source(%dma_start3A_488 : memref<10008x128xbf16, #tpu.memory_space<hbm>>) target(%dma_start3A_482 : memref<64x128xbf16, #tpu.memory_space<vmem>>) offsets(%dma_start3A_485 : memref<64xi32, #tpu.memory_space<vmem>>) semaphore(%arg29 : memref<!tpu.dma_semaphore, #tpu.memory_space<semaphore_mem>>)
        %dma_start3A_489 = arith.constant 0 : i32
        %dma_start3A_490 = arith.constant 64 : i32
        %dma_start3A_491 = arith.constant 0 : i32
        %dma_start3A_492 = tpu.memref_slice %arg17[%dma_start3A_490, %dma_start3A_491] : memref<120x128xbf16, #tpu.memory_space<vmem>> -> memref<56x128xbf16, #tpu.memory_space<vmem>>
        %dma_start3A_493 = arith.constant 64 : i32
        %dma_start3A_494 = tpu.memref_slice %arg11[%dma_start3A_489, %dma_start3A_493] : memref<2x120xi32, #tpu.memory_space<vmem>> -> memref<1x56xi32, #tpu.memory_space<vmem>>
        %dma_start3A_495 = tpu.memref_squeeze %dma_start3A_494 : memref<1x56xi32, #tpu.memory_space<vmem>> -> memref<56xi32, #tpu.memory_space<vmem>>
        %dma_start3A_496 = arith.constant 0 : i32
        %dma_start3A_497 = arith.constant 0 : i32
        %dma_start3A_498 = tpu.memref_slice %arg3[%dma_start3A_496, %dma_start3A_497] : memref<10008x128xbf16, #tpu.memory_space<hbm>> -> memref<10008x128xbf16, #tpu.memory_space<hbm>>
        tpu.enqueue_indirect_dma source(%dma_start3A_498 : memref<10008x128xbf16, #tpu.memory_space<hbm>>) target(%dma_start3A_492 : memref<56x128xbf16, #tpu.memory_space<vmem>>) offsets(%dma_start3A_495 : memref<56xi32, #tpu.memory_space<vmem>>) semaphore(%arg29 : memref<!tpu.dma_semaphore, #tpu.memory_space<semaphore_mem>>)
      } else {
      }
      "tpu.region"() ({
        %run_scoped3A = tpu.sem_alloc : memref<!tpu.dma_semaphore, #tpu.memory_space<semaphore_mem>>
        %dma_start3A_470 = arith.constant 0 : i32
        %dma_start3A_471 = tpu.memref_slice %arg6[%scan3A_210, %dma_start3A_470] : memref<2x120xi32, #tpu.memory_space<vmem>> -> memref<1x120xi32, #tpu.memory_space<vmem>>
        %dma_start3A_472 = tpu.memref_squeeze %dma_start3A_471 : memref<1x120xi32, #tpu.memory_space<vmem>> -> memref<120xi32, #tpu.memory_space<vmem>>
        %dma_start3A_473 = arith.constant 0 : i32
        %dma_start3A_474 = arith.constant 0 : i32
        %dma_start3A_475 = tpu.memref_slice %arg30[%dma_start3A_473, %dma_start3A_474] : memref<10000x128xbf16, #tpu.memory_space<vmem_shared>> -> memref<10000x128xbf16, #tpu.memory_space<vmem_shared>>
        tpu.enqueue_indirect_dma source(%arg12 : memref<120x128xbf16, #tpu.memory_space<vmem>>) target(%dma_start3A_475 : memref<10000x128xbf16, #tpu.memory_space<vmem_shared>>) offsets(%dma_start3A_472 : memref<120xi32, #tpu.memory_space<vmem>>) semaphore(%run_scoped3A : memref<!tpu.dma_semaphore, #tpu.memory_space<semaphore_mem>>) {add = true}
        %dma_wait3A_476 = arith.constant 0 : i32
        %dma_wait3A_477 = tpu.memref_slice %arg6[%scan3A_210, %dma_wait3A_476] : memref<2x120xi32, #tpu.memory_space<vmem>> -> memref<1x120xi32, #tpu.memory_space<vmem>>
        %dma_wait3A_478 = tpu.memref_squeeze %dma_wait3A_477 : memref<1x120xi32, #tpu.memory_space<vmem>> -> memref<120xi32, #tpu.memory_space<vmem>>
        %dma_wait3A_479 = arith.constant 0 : i32
        %dma_wait3A_480 = arith.constant 0 : i32
        %dma_wait3A_481 = tpu.memref_slice %arg30[%dma_wait3A_479, %dma_wait3A_480] : memref<10000x128xbf16, #tpu.memory_space<vmem_shared>> -> memref<10000x128xbf16, #tpu.memory_space<vmem_shared>>
        tpu.wait_indirect_dma semaphore(%run_scoped3A : memref<!tpu.dma_semaphore, #tpu.memory_space<semaphore_mem>>) src(%arg12 : memref<120x128xbf16, #tpu.memory_space<vmem>>) dst(%dma_wait3A_481 : memref<10000x128xbf16, #tpu.memory_space<vmem_shared>>)
        tpu.yield
      }) : () -> ()
      %add3A_263 = arith.constant 6 : i32
      %add3A_264 = arith.addi %add3A_235, %add3A_263 : i32
      %lt3A_265 = arith.constant 84 : i32
      %lt3A_266 = arith.cmpi slt, %add3A_264, %lt3A_265 : i32
      %convert_element_type3A_267 = arith.extui %lt3A_266 : i1 to i32
      %cond3A_268 = arith.constant 0 : i32
      %cond3A_269 = arith.cmpi ne, %convert_element_type3A_267, %cond3A_268 : i32
      scf.if %cond3A_269 {
        %add3A_470 = arith.constant 6 : i32
        %add3A_471 = arith.addi %add3A_235, %add3A_470 : i32
        %add3A_472 = arith.addi %mul3A_2, %add3A_471 : i32
        %dma_start3A_473 = arith.constant 0 : i32
        %dma_start3A_474 = arith.constant 0 : i32
        %dma_start3A_475 = tpu.memref_slice %arg2[%add3A_472, %dma_start3A_473, %dma_start3A_474] : memref<2688x2x120xi32, #tpu.memory_space<hbm>> -> memref<1x2x120xi32, #tpu.memory_space<hbm>>
        %dma_start3A_476 = tpu.memref_squeeze %dma_start3A_475 : memref<1x2x120xi32, #tpu.memory_space<hbm>> -> memref<2x120xi32, #tpu.memory_space<hbm>>
        %dma_start3A_477 = arith.constant 0 : i32
        %dma_start3A_478 = arith.constant 0 : i32
        %dma_start3A_479 = tpu.memref_slice %arg2[%add3A_472, %dma_start3A_477, %dma_start3A_478] : memref<2688x2x120xi32, #tpu.memory_space<hbm>> -> memref<1x2x120xi32, #tpu.memory_space<hbm>>
        %dma_start3A_480 = tpu.memref_squeeze %dma_start3A_479 : memref<1x2x120xi32, #tpu.memory_space<hbm>> -> memref<2x120xi32, #tpu.memory_space<hbm>>
        tpu.enqueue_dma source(%dma_start3A_480 : memref<2x120xi32, #tpu.memory_space<hbm>>) target(%arg6 : memref<2x120xi32, #tpu.memory_space<vmem>>) target_semaphore(%arg18 : memref<!tpu.dma_semaphore, #tpu.memory_space<semaphore_mem>>)
      } else {
      }
      %mul3A_270 = arith.constant 6 : i32
      %mul3A_271 = arith.muli %scan3A_231, %mul3A_270 : i32
      %add3A_272 = arith.constant 1 : i32
      %add3A_273 = arith.addi %mul3A_271, %add3A_272 : i32
      %dma_wait3A_274 = arith.constant 0 : i32
      %dma_wait3A_275 = arith.constant 0 : i32
      %dma_wait3A_276 = arith.constant 0 : i32
      %dma_wait3A_277 = tpu.memref_slice %arg13[%dma_wait3A_275, %dma_wait3A_276] : memref<120x128xbf16, #tpu.memory_space<vmem>> -> memref<64x128xbf16, #tpu.memory_space<vmem>>
      %dma_wait3A_278 = arith.constant 0 : i32
      %dma_wait3A_279 = tpu.memref_slice %arg7[%dma_wait3A_274, %dma_wait3A_278] : memref<2x120xi32, #tpu.memory_space<vmem>> -> memref<1x64xi32, #tpu.memory_space<vmem>>
      %dma_wait3A_280 = tpu.memref_squeeze %dma_wait3A_279 : memref<1x64xi32, #tpu.memory_space<vmem>> -> memref<64xi32, #tpu.memory_space<vmem>>
      %dma_wait3A_281 = arith.constant 0 : i32
      %dma_wait3A_282 = arith.constant 0 : i32
      %dma_wait3A_283 = tpu.memref_slice %arg3[%dma_wait3A_281, %dma_wait3A_282] : memref<10008x128xbf16, #tpu.memory_space<hbm>> -> memref<10008x128xbf16, #tpu.memory_space<hbm>>
      tpu.wait_indirect_dma semaphore(%arg25 : memref<!tpu.dma_semaphore, #tpu.memory_space<semaphore_mem>>) src(%dma_wait3A_283 : memref<10008x128xbf16, #tpu.memory_space<hbm>>) dst(%dma_wait3A_277 : memref<64x128xbf16, #tpu.memory_space<vmem>>)
      %dma_wait3A_284 = arith.constant 0 : i32
      %dma_wait3A_285 = arith.constant 64 : i32
      %dma_wait3A_286 = arith.constant 0 : i32
      %dma_wait3A_287 = tpu.memref_slice %arg13[%dma_wait3A_285, %dma_wait3A_286] : memref<120x128xbf16, #tpu.memory_space<vmem>> -> memref<56x128xbf16, #tpu.memory_space<vmem>>
      %dma_wait3A_288 = arith.constant 64 : i32
      %dma_wait3A_289 = tpu.memref_slice %arg7[%dma_wait3A_284, %dma_wait3A_288] : memref<2x120xi32, #tpu.memory_space<vmem>> -> memref<1x56xi32, #tpu.memory_space<vmem>>
      %dma_wait3A_290 = tpu.memref_squeeze %dma_wait3A_289 : memref<1x56xi32, #tpu.memory_space<vmem>> -> memref<56xi32, #tpu.memory_space<vmem>>
      %dma_wait3A_291 = arith.constant 0 : i32
      %dma_wait3A_292 = arith.constant 0 : i32
      %dma_wait3A_293 = tpu.memref_slice %arg3[%dma_wait3A_291, %dma_wait3A_292] : memref<10008x128xbf16, #tpu.memory_space<hbm>> -> memref<10008x128xbf16, #tpu.memory_space<hbm>>
      tpu.wait_indirect_dma semaphore(%arg25 : memref<!tpu.dma_semaphore, #tpu.memory_space<semaphore_mem>>) src(%dma_wait3A_293 : memref<10008x128xbf16, #tpu.memory_space<hbm>>) dst(%dma_wait3A_287 : memref<56x128xbf16, #tpu.memory_space<vmem>>)
      %add3A_294 = arith.constant 6 : i32
      %add3A_295 = arith.addi %add3A_273, %add3A_294 : i32
      %sub3A_296 = arith.constant 1 : i32
      %sub3A_297 = arith.subi %add3A_295, %sub3A_296 : i32
      %lt3A_298 = arith.constant 84 : i32
      %lt3A_299 = arith.cmpi slt, %sub3A_297, %lt3A_298 : i32
      %convert_element_type3A_300 = arith.extui %lt3A_299 : i1 to i32
      %cond3A_301 = arith.constant 0 : i32
      %cond3A_302 = arith.cmpi ne, %convert_element_type3A_300, %cond3A_301 : i32
      scf.if %cond3A_302 {
        %dma_wait3A_470 = arith.constant 0 : i32
        %dma_wait3A_471 = arith.constant 0 : i32
        %dma_wait3A_472 = arith.constant 0 : i32
        %dma_wait3A_473 = tpu.memref_slice %arg2[%dma_wait3A_470, %dma_wait3A_471, %dma_wait3A_472] : memref<2688x2x120xi32, #tpu.memory_space<hbm>> -> memref<1x2x120xi32, #tpu.memory_space<hbm>>
        %dma_wait3A_474 = tpu.memref_squeeze %dma_wait3A_473 : memref<1x2x120xi32, #tpu.memory_space<hbm>> -> memref<2x120xi32, #tpu.memory_space<hbm>>
        %dma_wait3A_475 = arith.constant 0 : i32
        %dma_wait3A_476 = arith.constant 0 : i32
        %dma_wait3A_477 = tpu.memref_slice %arg2[%dma_wait3A_470, %dma_wait3A_475, %dma_wait3A_476] : memref<2688x2x120xi32, #tpu.memory_space<hbm>> -> memref<1x2x120xi32, #tpu.memory_space<hbm>>
        %dma_wait3A_478 = tpu.memref_squeeze %dma_wait3A_477 : memref<1x2x120xi32, #tpu.memory_space<hbm>> -> memref<2x120xi32, #tpu.memory_space<hbm>>
        tpu.wait_dma2 semaphore(%arg18 : memref<!tpu.dma_semaphore, #tpu.memory_space<semaphore_mem>>) src(%dma_wait3A_478 : memref<2x120xi32, #tpu.memory_space<hbm>>) dst(%arg6 : memref<2x120xi32, #tpu.memory_space<vmem>>)
        %dma_start3A_479 = arith.constant 0 : i32
        %dma_start3A_480 = arith.constant 0 : i32
        %dma_start3A_481 = arith.constant 0 : i32
        %dma_start3A_482 = tpu.memref_slice %arg12[%dma_start3A_480, %dma_start3A_481] : memref<120x128xbf16, #tpu.memory_space<vmem>> -> memref<64x128xbf16, #tpu.memory_space<vmem>>
        %dma_start3A_483 = arith.constant 0 : i32
        %dma_start3A_484 = tpu.memref_slice %arg6[%dma_start3A_479, %dma_start3A_483] : memref<2x120xi32, #tpu.memory_space<vmem>> -> memref<1x64xi32, #tpu.memory_space<vmem>>
        %dma_start3A_485 = tpu.memref_squeeze %dma_start3A_484 : memref<1x64xi32, #tpu.memory_space<vmem>> -> memref<64xi32, #tpu.memory_space<vmem>>
        %dma_start3A_486 = arith.constant 0 : i32
        %dma_start3A_487 = arith.constant 0 : i32
        %dma_start3A_488 = tpu.memref_slice %arg3[%dma_start3A_486, %dma_start3A_487] : memref<10008x128xbf16, #tpu.memory_space<hbm>> -> memref<10008x128xbf16, #tpu.memory_space<hbm>>
        tpu.enqueue_indirect_dma source(%dma_start3A_488 : memref<10008x128xbf16, #tpu.memory_space<hbm>>) target(%dma_start3A_482 : memref<64x128xbf16, #tpu.memory_space<vmem>>) offsets(%dma_start3A_485 : memref<64xi32, #tpu.memory_space<vmem>>) semaphore(%arg24 : memref<!tpu.dma_semaphore, #tpu.memory_space<semaphore_mem>>)
        %dma_start3A_489 = arith.constant 0 : i32
        %dma_start3A_490 = arith.constant 64 : i32
        %dma_start3A_491 = arith.constant 0 : i32
        %dma_start3A_492 = tpu.memref_slice %arg12[%dma_start3A_490, %dma_start3A_491] : memref<120x128xbf16, #tpu.memory_space<vmem>> -> memref<56x128xbf16, #tpu.memory_space<vmem>>
        %dma_start3A_493 = arith.constant 64 : i32
        %dma_start3A_494 = tpu.memref_slice %arg6[%dma_start3A_489, %dma_start3A_493] : memref<2x120xi32, #tpu.memory_space<vmem>> -> memref<1x56xi32, #tpu.memory_space<vmem>>
        %dma_start3A_495 = tpu.memref_squeeze %dma_start3A_494 : memref<1x56xi32, #tpu.memory_space<vmem>> -> memref<56xi32, #tpu.memory_space<vmem>>
        %dma_start3A_496 = arith.constant 0 : i32
        %dma_start3A_497 = arith.constant 0 : i32
        %dma_start3A_498 = tpu.memref_slice %arg3[%dma_start3A_496, %dma_start3A_497] : memref<10008x128xbf16, #tpu.memory_space<hbm>> -> memref<10008x128xbf16, #tpu.memory_space<hbm>>
        tpu.enqueue_indirect_dma source(%dma_start3A_498 : memref<10008x128xbf16, #tpu.memory_space<hbm>>) target(%dma_start3A_492 : memref<56x128xbf16, #tpu.memory_space<vmem>>) offsets(%dma_start3A_495 : memref<56xi32, #tpu.memory_space<vmem>>) semaphore(%arg24 : memref<!tpu.dma_semaphore, #tpu.memory_space<semaphore_mem>>)
      } else {
      }
      "tpu.region"() ({
        %run_scoped3A = tpu.sem_alloc : memref<!tpu.dma_semaphore, #tpu.memory_space<semaphore_mem>>
        %dma_start3A_470 = arith.constant 0 : i32
        %dma_start3A_471 = tpu.memref_slice %arg7[%scan3A_211, %dma_start3A_470] : memref<2x120xi32, #tpu.memory_space<vmem>> -> memref<1x120xi32, #tpu.memory_space<vmem>>
        %dma_start3A_472 = tpu.memref_squeeze %dma_start3A_471 : memref<1x120xi32, #tpu.memory_space<vmem>> -> memref<120xi32, #tpu.memory_space<vmem>>
        %dma_start3A_473 = arith.constant 0 : i32
        %dma_start3A_474 = arith.constant 0 : i32
        %dma_start3A_475 = tpu.memref_slice %arg30[%dma_start3A_473, %dma_start3A_474] : memref<10000x128xbf16, #tpu.memory_space<vmem_shared>> -> memref<10000x128xbf16, #tpu.memory_space<vmem_shared>>
        tpu.enqueue_indirect_dma source(%arg13 : memref<120x128xbf16, #tpu.memory_space<vmem>>) target(%dma_start3A_475 : memref<10000x128xbf16, #tpu.memory_space<vmem_shared>>) offsets(%dma_start3A_472 : memref<120xi32, #tpu.memory_space<vmem>>) semaphore(%run_scoped3A : memref<!tpu.dma_semaphore, #tpu.memory_space<semaphore_mem>>) {add = true}
        %dma_wait3A_476 = arith.constant 0 : i32
        %dma_wait3A_477 = tpu.memref_slice %arg7[%scan3A_211, %dma_wait3A_476] : memref<2x120xi32, #tpu.memory_space<vmem>> -> memref<1x120xi32, #tpu.memory_space<vmem>>
        %dma_wait3A_478 = tpu.memref_squeeze %dma_wait3A_477 : memref<1x120xi32, #tpu.memory_space<vmem>> -> memref<120xi32, #tpu.memory_space<vmem>>
        %dma_wait3A_479 = arith.constant 0 : i32
        %dma_wait3A_480 = arith.constant 0 : i32
        %dma_wait3A_481 = tpu.memref_slice %arg30[%dma_wait3A_479, %dma_wait3A_480] : memref<10000x128xbf16, #tpu.memory_space<vmem_shared>> -> memref<10000x128xbf16, #tpu.memory_space<vmem_shared>>
        tpu.wait_indirect_dma semaphore(%run_scoped3A : memref<!tpu.dma_semaphore, #tpu.memory_space<semaphore_mem>>) src(%arg13 : memref<120x128xbf16, #tpu.memory_space<vmem>>) dst(%dma_wait3A_481 : memref<10000x128xbf16, #tpu.memory_space<vmem_shared>>)
        tpu.yield
      }) : () -> ()
      %add3A_303 = arith.constant 6 : i32
      %add3A_304 = arith.addi %add3A_273, %add3A_303 : i32
      %lt3A_305 = arith.constant 84 : i32
      %lt3A_306 = arith.cmpi slt, %add3A_304, %lt3A_305 : i32
      %convert_element_type3A_307 = arith.extui %lt3A_306 : i1 to i32
      %cond3A_308 = arith.constant 0 : i32
      %cond3A_309 = arith.cmpi ne, %convert_element_type3A_307, %cond3A_308 : i32
      scf.if %cond3A_309 {
        %add3A_470 = arith.constant 6 : i32
        %add3A_471 = arith.addi %add3A_273, %add3A_470 : i32
        %add3A_472 = arith.addi %mul3A_2, %add3A_471 : i32
        %dma_start3A_473 = arith.constant 0 : i32
        %dma_start3A_474 = arith.constant 0 : i32
        %dma_start3A_475 = tpu.memref_slice %arg2[%add3A_472, %dma_start3A_473, %dma_start3A_474] : memref<2688x2x120xi32, #tpu.memory_space<hbm>> -> memref<1x2x120xi32, #tpu.memory_space<hbm>>
        %dma_start3A_476 = tpu.memref_squeeze %dma_start3A_475 : memref<1x2x120xi32, #tpu.memory_space<hbm>> -> memref<2x120xi32, #tpu.memory_space<hbm>>
        %dma_start3A_477 = arith.constant 0 : i32
        %dma_start3A_478 = arith.constant 0 : i32
        %dma_start3A_479 = tpu.memref_slice %arg2[%add3A_472, %dma_start3A_477, %dma_start3A_478] : memref<2688x2x120xi32, #tpu.memory_space<hbm>> -> memref<1x2x120xi32, #tpu.memory_space<hbm>>
        %dma_start3A_480 = tpu.memref_squeeze %dma_start3A_479 : memref<1x2x120xi32, #tpu.memory_space<hbm>> -> memref<2x120xi32, #tpu.memory_space<hbm>>
        tpu.enqueue_dma source(%dma_start3A_480 : memref<2x120xi32, #tpu.memory_space<hbm>>) target(%arg7 : memref<2x120xi32, #tpu.memory_space<vmem>>) target_semaphore(%arg19 : memref<!tpu.dma_semaphore, #tpu.memory_space<semaphore_mem>>)
      } else {
      }
      %mul3A_310 = arith.constant 6 : i32
      %mul3A_311 = arith.muli %scan3A_231, %mul3A_310 : i32
      %add3A_312 = arith.constant 2 : i32
      %add3A_313 = arith.addi %mul3A_311, %add3A_312 : i32
      %dma_wait3A_314 = arith.constant 0 : i32
      %dma_wait3A_315 = arith.constant 0 : i32
      %dma_wait3A_316 = arith.constant 0 : i32
      %dma_wait3A_317 = tpu.memref_slice %arg14[%dma_wait3A_315, %dma_wait3A_316] : memref<120x128xbf16, #tpu.memory_space<vmem>> -> memref<64x128xbf16, #tpu.memory_space<vmem>>
      %dma_wait3A_318 = arith.constant 0 : i32
      %dma_wait3A_319 = tpu.memref_slice %arg8[%dma_wait3A_314, %dma_wait3A_318] : memref<2x120xi32, #tpu.memory_space<vmem>> -> memref<1x64xi32, #tpu.memory_space<vmem>>
      %dma_wait3A_320 = tpu.memref_squeeze %dma_wait3A_319 : memref<1x64xi32, #tpu.memory_space<vmem>> -> memref<64xi32, #tpu.memory_space<vmem>>
      %dma_wait3A_321 = arith.constant 0 : i32
      %dma_wait3A_322 = arith.constant 0 : i32
      %dma_wait3A_323 = tpu.memref_slice %arg3[%dma_wait3A_321, %dma_wait3A_322] : memref<10008x128xbf16, #tpu.memory_space<hbm>> -> memref<10008x128xbf16, #tpu.memory_space<hbm>>
      tpu.wait_indirect_dma semaphore(%arg26 : memref<!tpu.dma_semaphore, #tpu.memory_space<semaphore_mem>>) src(%dma_wait3A_323 : memref<10008x128xbf16, #tpu.memory_space<hbm>>) dst(%dma_wait3A_317 : memref<64x128xbf16, #tpu.memory_space<vmem>>)
      %dma_wait3A_324 = arith.constant 0 : i32
      %dma_wait3A_325 = arith.constant 64 : i32
      %dma_wait3A_326 = arith.constant 0 : i32
      %dma_wait3A_327 = tpu.memref_slice %arg14[%dma_wait3A_325, %dma_wait3A_326] : memref<120x128xbf16, #tpu.memory_space<vmem>> -> memref<56x128xbf16, #tpu.memory_space<vmem>>
      %dma_wait3A_328 = arith.constant 64 : i32
      %dma_wait3A_329 = tpu.memref_slice %arg8[%dma_wait3A_324, %dma_wait3A_328] : memref<2x120xi32, #tpu.memory_space<vmem>> -> memref<1x56xi32, #tpu.memory_space<vmem>>
      %dma_wait3A_330 = tpu.memref_squeeze %dma_wait3A_329 : memref<1x56xi32, #tpu.memory_space<vmem>> -> memref<56xi32, #tpu.memory_space<vmem>>
      %dma_wait3A_331 = arith.constant 0 : i32
      %dma_wait3A_332 = arith.constant 0 : i32
      %dma_wait3A_333 = tpu.memref_slice %arg3[%dma_wait3A_331, %dma_wait3A_332] : memref<10008x128xbf16, #tpu.memory_space<hbm>> -> memref<10008x128xbf16, #tpu.memory_space<hbm>>
      tpu.wait_indirect_dma semaphore(%arg26 : memref<!tpu.dma_semaphore, #tpu.memory_space<semaphore_mem>>) src(%dma_wait3A_333 : memref<10008x128xbf16, #tpu.memory_space<hbm>>) dst(%dma_wait3A_327 : memref<56x128xbf16, #tpu.memory_space<vmem>>)
      %add3A_334 = arith.constant 6 : i32
      %add3A_335 = arith.addi %add3A_313, %add3A_334 : i32
      %sub3A_336 = arith.constant 1 : i32
      %sub3A_337 = arith.subi %add3A_335, %sub3A_336 : i32
      %lt3A_338 = arith.constant 84 : i32
      %lt3A_339 = arith.cmpi slt, %sub3A_337, %lt3A_338 : i32
      %convert_element_type3A_340 = arith.extui %lt3A_339 : i1 to i32
      %cond3A_341 = arith.constant 0 : i32
      %cond3A_342 = arith.cmpi ne, %convert_element_type3A_340, %cond3A_341 : i32
      scf.if %cond3A_342 {
        %dma_wait3A_470 = arith.constant 0 : i32
        %dma_wait3A_471 = arith.constant 0 : i32
        %dma_wait3A_472 = arith.constant 0 : i32
        %dma_wait3A_473 = tpu.memref_slice %arg2[%dma_wait3A_470, %dma_wait3A_471, %dma_wait3A_472] : memref<2688x2x120xi32, #tpu.memory_space<hbm>> -> memref<1x2x120xi32, #tpu.memory_space<hbm>>
        %dma_wait3A_474 = tpu.memref_squeeze %dma_wait3A_473 : memref<1x2x120xi32, #tpu.memory_space<hbm>> -> memref<2x120xi32, #tpu.memory_space<hbm>>
        %dma_wait3A_475 = arith.constant 0 : i32
        %dma_wait3A_476 = arith.constant 0 : i32
        %dma_wait3A_477 = tpu.memref_slice %arg2[%dma_wait3A_470, %dma_wait3A_475, %dma_wait3A_476] : memref<2688x2x120xi32, #tpu.memory_space<hbm>> -> memref<1x2x120xi32, #tpu.memory_space<hbm>>
        %dma_wait3A_478 = tpu.memref_squeeze %dma_wait3A_477 : memref<1x2x120xi32, #tpu.memory_space<hbm>> -> memref<2x120xi32, #tpu.memory_space<hbm>>
        tpu.wait_dma2 semaphore(%arg19 : memref<!tpu.dma_semaphore, #tpu.memory_space<semaphore_mem>>) src(%dma_wait3A_478 : memref<2x120xi32, #tpu.memory_space<hbm>>) dst(%arg7 : memref<2x120xi32, #tpu.memory_space<vmem>>)
        %dma_start3A_479 = arith.constant 0 : i32
        %dma_start3A_480 = arith.constant 0 : i32
        %dma_start3A_481 = arith.constant 0 : i32
        %dma_start3A_482 = tpu.memref_slice %arg13[%dma_start3A_480, %dma_start3A_481] : memref<120x128xbf16, #tpu.memory_space<vmem>> -> memref<64x128xbf16, #tpu.memory_space<vmem>>
        %dma_start3A_483 = arith.constant 0 : i32
        %dma_start3A_484 = tpu.memref_slice %arg7[%dma_start3A_479, %dma_start3A_483] : memref<2x120xi32, #tpu.memory_space<vmem>> -> memref<1x64xi32, #tpu.memory_space<vmem>>
        %dma_start3A_485 = tpu.memref_squeeze %dma_start3A_484 : memref<1x64xi32, #tpu.memory_space<vmem>> -> memref<64xi32, #tpu.memory_space<vmem>>
        %dma_start3A_486 = arith.constant 0 : i32
        %dma_start3A_487 = arith.constant 0 : i32
        %dma_start3A_488 = tpu.memref_slice %arg3[%dma_start3A_486, %dma_start3A_487] : memref<10008x128xbf16, #tpu.memory_space<hbm>> -> memref<10008x128xbf16, #tpu.memory_space<hbm>>
        tpu.enqueue_indirect_dma source(%dma_start3A_488 : memref<10008x128xbf16, #tpu.memory_space<hbm>>) target(%dma_start3A_482 : memref<64x128xbf16, #tpu.memory_space<vmem>>) offsets(%dma_start3A_485 : memref<64xi32, #tpu.memory_space<vmem>>) semaphore(%arg25 : memref<!tpu.dma_semaphore, #tpu.memory_space<semaphore_mem>>)
        %dma_start3A_489 = arith.constant 0 : i32
        %dma_start3A_490 = arith.constant 64 : i32
        %dma_start3A_491 = arith.constant 0 : i32
        %dma_start3A_492 = tpu.memref_slice %arg13[%dma_start3A_490, %dma_start3A_491] : memref<120x128xbf16, #tpu.memory_space<vmem>> -> memref<56x128xbf16, #tpu.memory_space<vmem>>
        %dma_start3A_493 = arith.constant 64 : i32
        %dma_start3A_494 = tpu.memref_slice %arg7[%dma_start3A_489, %dma_start3A_493] : memref<2x120xi32, #tpu.memory_space<vmem>> -> memref<1x56xi32, #tpu.memory_space<vmem>>
        %dma_start3A_495 = tpu.memref_squeeze %dma_start3A_494 : memref<1x56xi32, #tpu.memory_space<vmem>> -> memref<56xi32, #tpu.memory_space<vmem>>
        %dma_start3A_496 = arith.constant 0 : i32
        %dma_start3A_497 = arith.constant 0 : i32
        %dma_start3A_498 = tpu.memref_slice %arg3[%dma_start3A_496, %dma_start3A_497] : memref<10008x128xbf16, #tpu.memory_space<hbm>> -> memref<10008x128xbf16, #tpu.memory_space<hbm>>
        tpu.enqueue_indirect_dma source(%dma_start3A_498 : memref<10008x128xbf16, #tpu.memory_space<hbm>>) target(%dma_start3A_492 : memref<56x128xbf16, #tpu.memory_space<vmem>>) offsets(%dma_start3A_495 : memref<56xi32, #tpu.memory_space<vmem>>) semaphore(%arg25 : memref<!tpu.dma_semaphore, #tpu.memory_space<semaphore_mem>>)
      } else {
      }
      "tpu.region"() ({
        %run_scoped3A = tpu.sem_alloc : memref<!tpu.dma_semaphore, #tpu.memory_space<semaphore_mem>>
        %dma_start3A_470 = arith.constant 0 : i32
        %dma_start3A_471 = tpu.memref_slice %arg8[%scan3A_212, %dma_start3A_470] : memref<2x120xi32, #tpu.memory_space<vmem>> -> memref<1x120xi32, #tpu.memory_space<vmem>>
        %dma_start3A_472 = tpu.memref_squeeze %dma_start3A_471 : memref<1x120xi32, #tpu.memory_space<vmem>> -> memref<120xi32, #tpu.memory_space<vmem>>
        %dma_start3A_473 = arith.constant 0 : i32
        %dma_start3A_474 = arith.constant 0 : i32
        %dma_start3A_475 = tpu.memref_slice %arg30[%dma_start3A_473, %dma_start3A_474] : memref<10000x128xbf16, #tpu.memory_space<vmem_shared>> -> memref<10000x128xbf16, #tpu.memory_space<vmem_shared>>
        tpu.enqueue_indirect_dma source(%arg14 : memref<120x128xbf16, #tpu.memory_space<vmem>>) target(%dma_start3A_475 : memref<10000x128xbf16, #tpu.memory_space<vmem_shared>>) offsets(%dma_start3A_472 : memref<120xi32, #tpu.memory_space<vmem>>) semaphore(%run_scoped3A : memref<!tpu.dma_semaphore, #tpu.memory_space<semaphore_mem>>) {add = true}
        %dma_wait3A_476 = arith.constant 0 : i32
        %dma_wait3A_477 = tpu.memref_slice %arg8[%scan3A_212, %dma_wait3A_476] : memref<2x120xi32, #tpu.memory_space<vmem>> -> memref<1x120xi32, #tpu.memory_space<vmem>>
        %dma_wait3A_478 = tpu.memref_squeeze %dma_wait3A_477 : memref<1x120xi32, #tpu.memory_space<vmem>> -> memref<120xi32, #tpu.memory_space<vmem>>
        %dma_wait3A_479 = arith.constant 0 : i32
        %dma_wait3A_480 = arith.constant 0 : i32
        %dma_wait3A_481 = tpu.memref_slice %arg30[%dma_wait3A_479, %dma_wait3A_480] : memref<10000x128xbf16, #tpu.memory_space<vmem_shared>> -> memref<10000x128xbf16, #tpu.memory_space<vmem_shared>>
        tpu.wait_indirect_dma semaphore(%run_scoped3A : memref<!tpu.dma_semaphore, #tpu.memory_space<semaphore_mem>>) src(%arg14 : memref<120x128xbf16, #tpu.memory_space<vmem>>) dst(%dma_wait3A_481 : memref<10000x128xbf16, #tpu.memory_space<vmem_shared>>)
        tpu.yield
      }) : () -> ()
      %add3A_343 = arith.constant 6 : i32
      %add3A_344 = arith.addi %add3A_313, %add3A_343 : i32
      %lt3A_345 = arith.constant 84 : i32
      %lt3A_346 = arith.cmpi slt, %add3A_344, %lt3A_345 : i32
      %convert_element_type3A_347 = arith.extui %lt3A_346 : i1 to i32
      %cond3A_348 = arith.constant 0 : i32
      %cond3A_349 = arith.cmpi ne, %convert_element_type3A_347, %cond3A_348 : i32
      scf.if %cond3A_349 {
        %add3A_470 = arith.constant 6 : i32
        %add3A_471 = arith.addi %add3A_313, %add3A_470 : i32
        %add3A_472 = arith.addi %mul3A_2, %add3A_471 : i32
        %dma_start3A_473 = arith.constant 0 : i32
        %dma_start3A_474 = arith.constant 0 : i32
        %dma_start3A_475 = tpu.memref_slice %arg2[%add3A_472, %dma_start3A_473, %dma_start3A_474] : memref<2688x2x120xi32, #tpu.memory_space<hbm>> -> memref<1x2x120xi32, #tpu.memory_space<hbm>>
        %dma_start3A_476 = tpu.memref_squeeze %dma_start3A_475 : memref<1x2x120xi32, #tpu.memory_space<hbm>> -> memref<2x120xi32, #tpu.memory_space<hbm>>
        %dma_start3A_477 = arith.constant 0 : i32
        %dma_start3A_478 = arith.constant 0 : i32
        %dma_start3A_479 = tpu.memref_slice %arg2[%add3A_472, %dma_start3A_477, %dma_start3A_478] : memref<2688x2x120xi32, #tpu.memory_space<hbm>> -> memref<1x2x120xi32, #tpu.memory_space<hbm>>
        %dma_start3A_480 = tpu.memref_squeeze %dma_start3A_479 : memref<1x2x120xi32, #tpu.memory_space<hbm>> -> memref<2x120xi32, #tpu.memory_space<hbm>>
        tpu.enqueue_dma source(%dma_start3A_480 : memref<2x120xi32, #tpu.memory_space<hbm>>) target(%arg8 : memref<2x120xi32, #tpu.memory_space<vmem>>) target_semaphore(%arg20 : memref<!tpu.dma_semaphore, #tpu.memory_space<semaphore_mem>>)
      } else {
      }
      %mul3A_350 = arith.constant 6 : i32
      %mul3A_351 = arith.muli %scan3A_231, %mul3A_350 : i32
      %add3A_352 = arith.constant 3 : i32
      %add3A_353 = arith.addi %mul3A_351, %add3A_352 : i32
      %dma_wait3A_354 = arith.constant 0 : i32
      %dma_wait3A_355 = arith.constant 0 : i32
      %dma_wait3A_356 = arith.constant 0 : i32
      %dma_wait3A_357 = tpu.memref_slice %arg15[%dma_wait3A_355, %dma_wait3A_356] : memref<120x128xbf16, #tpu.memory_space<vmem>> -> memref<64x128xbf16, #tpu.memory_space<vmem>>
      %dma_wait3A_358 = arith.constant 0 : i32
      %dma_wait3A_359 = tpu.memref_slice %arg9[%dma_wait3A_354, %dma_wait3A_358] : memref<2x120xi32, #tpu.memory_space<vmem>> -> memref<1x64xi32, #tpu.memory_space<vmem>>
      %dma_wait3A_360 = tpu.memref_squeeze %dma_wait3A_359 : memref<1x64xi32, #tpu.memory_space<vmem>> -> memref<64xi32, #tpu.memory_space<vmem>>
      %dma_wait3A_361 = arith.constant 0 : i32
      %dma_wait3A_362 = arith.constant 0 : i32
      %dma_wait3A_363 = tpu.memref_slice %arg3[%dma_wait3A_361, %dma_wait3A_362] : memref<10008x128xbf16, #tpu.memory_space<hbm>> -> memref<10008x128xbf16, #tpu.memory_space<hbm>>
      tpu.wait_indirect_dma semaphore(%arg27 : memref<!tpu.dma_semaphore, #tpu.memory_space<semaphore_mem>>) src(%dma_wait3A_363 : memref<10008x128xbf16, #tpu.memory_space<hbm>>) dst(%dma_wait3A_357 : memref<64x128xbf16, #tpu.memory_space<vmem>>)
      %dma_wait3A_364 = arith.constant 0 : i32
      %dma_wait3A_365 = arith.constant 64 : i32
      %dma_wait3A_366 = arith.constant 0 : i32
      %dma_wait3A_367 = tpu.memref_slice %arg15[%dma_wait3A_365, %dma_wait3A_366] : memref<120x128xbf16, #tpu.memory_space<vmem>> -> memref<56x128xbf16, #tpu.memory_space<vmem>>
      %dma_wait3A_368 = arith.constant 64 : i32
      %dma_wait3A_369 = tpu.memref_slice %arg9[%dma_wait3A_364, %dma_wait3A_368] : memref<2x120xi32, #tpu.memory_space<vmem>> -> memref<1x56xi32, #tpu.memory_space<vmem>>
      %dma_wait3A_370 = tpu.memref_squeeze %dma_wait3A_369 : memref<1x56xi32, #tpu.memory_space<vmem>> -> memref<56xi32, #tpu.memory_space<vmem>>
      %dma_wait3A_371 = arith.constant 0 : i32
      %dma_wait3A_372 = arith.constant 0 : i32
      %dma_wait3A_373 = tpu.memref_slice %arg3[%dma_wait3A_371, %dma_wait3A_372] : memref<10008x128xbf16, #tpu.memory_space<hbm>> -> memref<10008x128xbf16, #tpu.memory_space<hbm>>
      tpu.wait_indirect_dma semaphore(%arg27 : memref<!tpu.dma_semaphore, #tpu.memory_space<semaphore_mem>>) src(%dma_wait3A_373 : memref<10008x128xbf16, #tpu.memory_space<hbm>>) dst(%dma_wait3A_367 : memref<56x128xbf16, #tpu.memory_space<vmem>>)
      %add3A_374 = arith.constant 6 : i32
      %add3A_375 = arith.addi %add3A_353, %add3A_374 : i32
      %sub3A_376 = arith.constant 1 : i32
      %sub3A_377 = arith.subi %add3A_375, %sub3A_376 : i32
      %lt3A_378 = arith.constant 84 : i32
      %lt3A_379 = arith.cmpi slt, %sub3A_377, %lt3A_378 : i32
      %convert_element_type3A_380 = arith.extui %lt3A_379 : i1 to i32
      %cond3A_381 = arith.constant 0 : i32
      %cond3A_382 = arith.cmpi ne, %convert_element_type3A_380, %cond3A_381 : i32
      scf.if %cond3A_382 {
        %dma_wait3A_470 = arith.constant 0 : i32
        %dma_wait3A_471 = arith.constant 0 : i32
        %dma_wait3A_472 = arith.constant 0 : i32
        %dma_wait3A_473 = tpu.memref_slice %arg2[%dma_wait3A_470, %dma_wait3A_471, %dma_wait3A_472] : memref<2688x2x120xi32, #tpu.memory_space<hbm>> -> memref<1x2x120xi32, #tpu.memory_space<hbm>>
        %dma_wait3A_474 = tpu.memref_squeeze %dma_wait3A_473 : memref<1x2x120xi32, #tpu.memory_space<hbm>> -> memref<2x120xi32, #tpu.memory_space<hbm>>
        %dma_wait3A_475 = arith.constant 0 : i32
        %dma_wait3A_476 = arith.constant 0 : i32
        %dma_wait3A_477 = tpu.memref_slice %arg2[%dma_wait3A_470, %dma_wait3A_475, %dma_wait3A_476] : memref<2688x2x120xi32, #tpu.memory_space<hbm>> -> memref<1x2x120xi32, #tpu.memory_space<hbm>>
        %dma_wait3A_478 = tpu.memref_squeeze %dma_wait3A_477 : memref<1x2x120xi32, #tpu.memory_space<hbm>> -> memref<2x120xi32, #tpu.memory_space<hbm>>
        tpu.wait_dma2 semaphore(%arg20 : memref<!tpu.dma_semaphore, #tpu.memory_space<semaphore_mem>>) src(%dma_wait3A_478 : memref<2x120xi32, #tpu.memory_space<hbm>>) dst(%arg8 : memref<2x120xi32, #tpu.memory_space<vmem>>)
        %dma_start3A_479 = arith.constant 0 : i32
        %dma_start3A_480 = arith.constant 0 : i32
        %dma_start3A_481 = arith.constant 0 : i32
        %dma_start3A_482 = tpu.memref_slice %arg14[%dma_start3A_480, %dma_start3A_481] : memref<120x128xbf16, #tpu.memory_space<vmem>> -> memref<64x128xbf16, #tpu.memory_space<vmem>>
        %dma_start3A_483 = arith.constant 0 : i32
        %dma_start3A_484 = tpu.memref_slice %arg8[%dma_start3A_479, %dma_start3A_483] : memref<2x120xi32, #tpu.memory_space<vmem>> -> memref<1x64xi32, #tpu.memory_space<vmem>>
        %dma_start3A_485 = tpu.memref_squeeze %dma_start3A_484 : memref<1x64xi32, #tpu.memory_space<vmem>> -> memref<64xi32, #tpu.memory_space<vmem>>
        %dma_start3A_486 = arith.constant 0 : i32
        %dma_start3A_487 = arith.constant 0 : i32
        %dma_start3A_488 = tpu.memref_slice %arg3[%dma_start3A_486, %dma_start3A_487] : memref<10008x128xbf16, #tpu.memory_space<hbm>> -> memref<10008x128xbf16, #tpu.memory_space<hbm>>
        tpu.enqueue_indirect_dma source(%dma_start3A_488 : memref<10008x128xbf16, #tpu.memory_space<hbm>>) target(%dma_start3A_482 : memref<64x128xbf16, #tpu.memory_space<vmem>>) offsets(%dma_start3A_485 : memref<64xi32, #tpu.memory_space<vmem>>) semaphore(%arg26 : memref<!tpu.dma_semaphore, #tpu.memory_space<semaphore_mem>>)
        %dma_start3A_489 = arith.constant 0 : i32
        %dma_start3A_490 = arith.constant 64 : i32
        %dma_start3A_491 = arith.constant 0 : i32
        %dma_start3A_492 = tpu.memref_slice %arg14[%dma_start3A_490, %dma_start3A_491] : memref<120x128xbf16, #tpu.memory_space<vmem>> -> memref<56x128xbf16, #tpu.memory_space<vmem>>
        %dma_start3A_493 = arith.constant 64 : i32
        %dma_start3A_494 = tpu.memref_slice %arg8[%dma_start3A_489, %dma_start3A_493] : memref<2x120xi32, #tpu.memory_space<vmem>> -> memref<1x56xi32, #tpu.memory_space<vmem>>
        %dma_start3A_495 = tpu.memref_squeeze %dma_start3A_494 : memref<1x56xi32, #tpu.memory_space<vmem>> -> memref<56xi32, #tpu.memory_space<vmem>>
        %dma_start3A_496 = arith.constant 0 : i32
        %dma_start3A_497 = arith.constant 0 : i32
        %dma_start3A_498 = tpu.memref_slice %arg3[%dma_start3A_496, %dma_start3A_497] : memref<10008x128xbf16, #tpu.memory_space<hbm>> -> memref<10008x128xbf16, #tpu.memory_space<hbm>>
        tpu.enqueue_indirect_dma source(%dma_start3A_498 : memref<10008x128xbf16, #tpu.memory_space<hbm>>) target(%dma_start3A_492 : memref<56x128xbf16, #tpu.memory_space<vmem>>) offsets(%dma_start3A_495 : memref<56xi32, #tpu.memory_space<vmem>>) semaphore(%arg26 : memref<!tpu.dma_semaphore, #tpu.memory_space<semaphore_mem>>)
      } else {
      }
      "tpu.region"() ({
        %run_scoped3A = tpu.sem_alloc : memref<!tpu.dma_semaphore, #tpu.memory_space<semaphore_mem>>
        %dma_start3A_470 = arith.constant 0 : i32
        %dma_start3A_471 = tpu.memref_slice %arg9[%scan3A_213, %dma_start3A_470] : memref<2x120xi32, #tpu.memory_space<vmem>> -> memref<1x120xi32, #tpu.memory_space<vmem>>
        %dma_start3A_472 = tpu.memref_squeeze %dma_start3A_471 : memref<1x120xi32, #tpu.memory_space<vmem>> -> memref<120xi32, #tpu.memory_space<vmem>>
        %dma_start3A_473 = arith.constant 0 : i32
        %dma_start3A_474 = arith.constant 0 : i32
        %dma_start3A_475 = tpu.memref_slice %arg30[%dma_start3A_473, %dma_start3A_474] : memref<10000x128xbf16, #tpu.memory_space<vmem_shared>> -> memref<10000x128xbf16, #tpu.memory_space<vmem_shared>>
        tpu.enqueue_indirect_dma source(%arg15 : memref<120x128xbf16, #tpu.memory_space<vmem>>) target(%dma_start3A_475 : memref<10000x128xbf16, #tpu.memory_space<vmem_shared>>) offsets(%dma_start3A_472 : memref<120xi32, #tpu.memory_space<vmem>>) semaphore(%run_scoped3A : memref<!tpu.dma_semaphore, #tpu.memory_space<semaphore_mem>>) {add = true}
        %dma_wait3A_476 = arith.constant 0 : i32
        %dma_wait3A_477 = tpu.memref_slice %arg9[%scan3A_213, %dma_wait3A_476] : memref<2x120xi32, #tpu.memory_space<vmem>> -> memref<1x120xi32, #tpu.memory_space<vmem>>
        %dma_wait3A_478 = tpu.memref_squeeze %dma_wait3A_477 : memref<1x120xi32, #tpu.memory_space<vmem>> -> memref<120xi32, #tpu.memory_space<vmem>>
        %dma_wait3A_479 = arith.constant 0 : i32
        %dma_wait3A_480 = arith.constant 0 : i32
        %dma_wait3A_481 = tpu.memref_slice %arg30[%dma_wait3A_479, %dma_wait3A_480] : memref<10000x128xbf16, #tpu.memory_space<vmem_shared>> -> memref<10000x128xbf16, #tpu.memory_space<vmem_shared>>
        tpu.wait_indirect_dma semaphore(%run_scoped3A : memref<!tpu.dma_semaphore, #tpu.memory_space<semaphore_mem>>) src(%arg15 : memref<120x128xbf16, #tpu.memory_space<vmem>>) dst(%dma_wait3A_481 : memref<10000x128xbf16, #tpu.memory_space<vmem_shared>>)
        tpu.yield
      }) : () -> ()
      %add3A_383 = arith.constant 6 : i32
      %add3A_384 = arith.addi %add3A_353, %add3A_383 : i32
      %lt3A_385 = arith.constant 84 : i32
      %lt3A_386 = arith.cmpi slt, %add3A_384, %lt3A_385 : i32
      %convert_element_type3A_387 = arith.extui %lt3A_386 : i1 to i32
      %cond3A_388 = arith.constant 0 : i32
      %cond3A_389 = arith.cmpi ne, %convert_element_type3A_387, %cond3A_388 : i32
      scf.if %cond3A_389 {
        %add3A_470 = arith.constant 6 : i32
        %add3A_471 = arith.addi %add3A_353, %add3A_470 : i32
        %add3A_472 = arith.addi %mul3A_2, %add3A_471 : i32
        %dma_start3A_473 = arith.constant 0 : i32
        %dma_start3A_474 = arith.constant 0 : i32
        %dma_start3A_475 = tpu.memref_slice %arg2[%add3A_472, %dma_start3A_473, %dma_start3A_474] : memref<2688x2x120xi32, #tpu.memory_space<hbm>> -> memref<1x2x120xi32, #tpu.memory_space<hbm>>
        %dma_start3A_476 = tpu.memref_squeeze %dma_start3A_475 : memref<1x2x120xi32, #tpu.memory_space<hbm>> -> memref<2x120xi32, #tpu.memory_space<hbm>>
        %dma_start3A_477 = arith.constant 0 : i32
        %dma_start3A_478 = arith.constant 0 : i32
        %dma_start3A_479 = tpu.memref_slice %arg2[%add3A_472, %dma_start3A_477, %dma_start3A_478] : memref<2688x2x120xi32, #tpu.memory_space<hbm>> -> memref<1x2x120xi32, #tpu.memory_space<hbm>>
        %dma_start3A_480 = tpu.memref_squeeze %dma_start3A_479 : memref<1x2x120xi32, #tpu.memory_space<hbm>> -> memref<2x120xi32, #tpu.memory_space<hbm>>
        tpu.enqueue_dma source(%dma_start3A_480 : memref<2x120xi32, #tpu.memory_space<hbm>>) target(%arg9 : memref<2x120xi32, #tpu.memory_space<vmem>>) target_semaphore(%arg21 : memref<!tpu.dma_semaphore, #tpu.memory_space<semaphore_mem>>)
      } else {
      }
      %mul3A_390 = arith.constant 6 : i32
      %mul3A_391 = arith.muli %scan3A_231, %mul3A_390 : i32
      %add3A_392 = arith.constant 4 : i32
      %add3A_393 = arith.addi %mul3A_391, %add3A_392 : i32
      %dma_wait3A_394 = arith.constant 0 : i32
      %dma_wait3A_395 = arith.constant 0 : i32
      %dma_wait3A_396 = arith.constant 0 : i32
      %dma_wait3A_397 = tpu.memref_slice %arg16[%dma_wait3A_395, %dma_wait3A_396] : memref<120x128xbf16, #tpu.memory_space<vmem>> -> memref<64x128xbf16, #tpu.memory_space<vmem>>
      %dma_wait3A_398 = arith.constant 0 : i32
      %dma_wait3A_399 = tpu.memref_slice %arg10[%dma_wait3A_394, %dma_wait3A_398] : memref<2x120xi32, #tpu.memory_space<vmem>> -> memref<1x64xi32, #tpu.memory_space<vmem>>
      %dma_wait3A_400 = tpu.memref_squeeze %dma_wait3A_399 : memref<1x64xi32, #tpu.memory_space<vmem>> -> memref<64xi32, #tpu.memory_space<vmem>>
      %dma_wait3A_401 = arith.constant 0 : i32
      %dma_wait3A_402 = arith.constant 0 : i32
      %dma_wait3A_403 = tpu.memref_slice %arg3[%dma_wait3A_401, %dma_wait3A_402] : memref<10008x128xbf16, #tpu.memory_space<hbm>> -> memref<10008x128xbf16, #tpu.memory_space<hbm>>
      tpu.wait_indirect_dma semaphore(%arg28 : memref<!tpu.dma_semaphore, #tpu.memory_space<semaphore_mem>>) src(%dma_wait3A_403 : memref<10008x128xbf16, #tpu.memory_space<hbm>>) dst(%dma_wait3A_397 : memref<64x128xbf16, #tpu.memory_space<vmem>>)
      %dma_wait3A_404 = arith.constant 0 : i32
      %dma_wait3A_405 = arith.constant 64 : i32
      %dma_wait3A_406 = arith.constant 0 : i32
      %dma_wait3A_407 = tpu.memref_slice %arg16[%dma_wait3A_405, %dma_wait3A_406] : memref<120x128xbf16, #tpu.memory_space<vmem>> -> memref<56x128xbf16, #tpu.memory_space<vmem>>
      %dma_wait3A_408 = arith.constant 64 : i32
      %dma_wait3A_409 = tpu.memref_slice %arg10[%dma_wait3A_404, %dma_wait3A_408] : memref<2x120xi32, #tpu.memory_space<vmem>> -> memref<1x56xi32, #tpu.memory_space<vmem>>
      %dma_wait3A_410 = tpu.memref_squeeze %dma_wait3A_409 : memref<1x56xi32, #tpu.memory_space<vmem>> -> memref<56xi32, #tpu.memory_space<vmem>>
      %dma_wait3A_411 = arith.constant 0 : i32
      %dma_wait3A_412 = arith.constant 0 : i32
      %dma_wait3A_413 = tpu.memref_slice %arg3[%dma_wait3A_411, %dma_wait3A_412] : memref<10008x128xbf16, #tpu.memory_space<hbm>> -> memref<10008x128xbf16, #tpu.memory_space<hbm>>
      tpu.wait_indirect_dma semaphore(%arg28 : memref<!tpu.dma_semaphore, #tpu.memory_space<semaphore_mem>>) src(%dma_wait3A_413 : memref<10008x128xbf16, #tpu.memory_space<hbm>>) dst(%dma_wait3A_407 : memref<56x128xbf16, #tpu.memory_space<vmem>>)
      %add3A_414 = arith.constant 6 : i32
      %add3A_415 = arith.addi %add3A_393, %add3A_414 : i32
      %sub3A_416 = arith.constant 1 : i32
      %sub3A_417 = arith.subi %add3A_415, %sub3A_416 : i32
      %lt3A_418 = arith.constant 84 : i32
      %lt3A_419 = arith.cmpi slt, %sub3A_417, %lt3A_418 : i32
      %convert_element_type3A_420 = arith.extui %lt3A_419 : i1 to i32
      %cond3A_421 = arith.constant 0 : i32
      %cond3A_422 = arith.cmpi ne, %convert_element_type3A_420, %cond3A_421 : i32
      scf.if %cond3A_422 {
        %dma_wait3A_470 = arith.constant 0 : i32
        %dma_wait3A_471 = arith.constant 0 : i32
        %dma_wait3A_472 = arith.constant 0 : i32
        %dma_wait3A_473 = tpu.memref_slice %arg2[%dma_wait3A_470, %dma_wait3A_471, %dma_wait3A_472] : memref<2688x2x120xi32, #tpu.memory_space<hbm>> -> memref<1x2x120xi32, #tpu.memory_space<hbm>>
        %dma_wait3A_474 = tpu.memref_squeeze %dma_wait3A_473 : memref<1x2x120xi32, #tpu.memory_space<hbm>> -> memref<2x120xi32, #tpu.memory_space<hbm>>
        %dma_wait3A_475 = arith.constant 0 : i32
        %dma_wait3A_476 = arith.constant 0 : i32
        %dma_wait3A_477 = tpu.memref_slice %arg2[%dma_wait3A_470, %dma_wait3A_475, %dma_wait3A_476] : memref<2688x2x120xi32, #tpu.memory_space<hbm>> -> memref<1x2x120xi32, #tpu.memory_space<hbm>>
        %dma_wait3A_478 = tpu.memref_squeeze %dma_wait3A_477 : memref<1x2x120xi32, #tpu.memory_space<hbm>> -> memref<2x120xi32, #tpu.memory_space<hbm>>
        tpu.wait_dma2 semaphore(%arg21 : memref<!tpu.dma_semaphore, #tpu.memory_space<semaphore_mem>>) src(%dma_wait3A_478 : memref<2x120xi32, #tpu.memory_space<hbm>>) dst(%arg9 : memref<2x120xi32, #tpu.memory_space<vmem>>)
        %dma_start3A_479 = arith.constant 0 : i32
        %dma_start3A_480 = arith.constant 0 : i32
        %dma_start3A_481 = arith.constant 0 : i32
        %dma_start3A_482 = tpu.memref_slice %arg15[%dma_start3A_480, %dma_start3A_481] : memref<120x128xbf16, #tpu.memory_space<vmem>> -> memref<64x128xbf16, #tpu.memory_space<vmem>>
        %dma_start3A_483 = arith.constant 0 : i32
        %dma_start3A_484 = tpu.memref_slice %arg9[%dma_start3A_479, %dma_start3A_483] : memref<2x120xi32, #tpu.memory_space<vmem>> -> memref<1x64xi32, #tpu.memory_space<vmem>>
        %dma_start3A_485 = tpu.memref_squeeze %dma_start3A_484 : memref<1x64xi32, #tpu.memory_space<vmem>> -> memref<64xi32, #tpu.memory_space<vmem>>
        %dma_start3A_486 = arith.constant 0 : i32
        %dma_start3A_487 = arith.constant 0 : i32
        %dma_start3A_488 = tpu.memref_slice %arg3[%dma_start3A_486, %dma_start3A_487] : memref<10008x128xbf16, #tpu.memory_space<hbm>> -> memref<10008x128xbf16, #tpu.memory_space<hbm>>
        tpu.enqueue_indirect_dma source(%dma_start3A_488 : memref<10008x128xbf16, #tpu.memory_space<hbm>>) target(%dma_start3A_482 : memref<64x128xbf16, #tpu.memory_space<vmem>>) offsets(%dma_start3A_485 : memref<64xi32, #tpu.memory_space<vmem>>) semaphore(%arg27 : memref<!tpu.dma_semaphore, #tpu.memory_space<semaphore_mem>>)
        %dma_start3A_489 = arith.constant 0 : i32
        %dma_start3A_490 = arith.constant 64 : i32
        %dma_start3A_491 = arith.constant 0 : i32
        %dma_start3A_492 = tpu.memref_slice %arg15[%dma_start3A_490, %dma_start3A_491] : memref<120x128xbf16, #tpu.memory_space<vmem>> -> memref<56x128xbf16, #tpu.memory_space<vmem>>
        %dma_start3A_493 = arith.constant 64 : i32
        %dma_start3A_494 = tpu.memref_slice %arg9[%dma_start3A_489, %dma_start3A_493] : memref<2x120xi32, #tpu.memory_space<vmem>> -> memref<1x56xi32, #tpu.memory_space<vmem>>
        %dma_start3A_495 = tpu.memref_squeeze %dma_start3A_494 : memref<1x56xi32, #tpu.memory_space<vmem>> -> memref<56xi32, #tpu.memory_space<vmem>>
        %dma_start3A_496 = arith.constant 0 : i32
        %dma_start3A_497 = arith.constant 0 : i32
        %dma_start3A_498 = tpu.memref_slice %arg3[%dma_start3A_496, %dma_start3A_497] : memref<10008x128xbf16, #tpu.memory_space<hbm>> -> memref<10008x128xbf16, #tpu.memory_space<hbm>>
        tpu.enqueue_indirect_dma source(%dma_start3A_498 : memref<10008x128xbf16, #tpu.memory_space<hbm>>) target(%dma_start3A_492 : memref<56x128xbf16, #tpu.memory_space<vmem>>) offsets(%dma_start3A_495 : memref<56xi32, #tpu.memory_space<vmem>>) semaphore(%arg27 : memref<!tpu.dma_semaphore, #tpu.memory_space<semaphore_mem>>)
      } else {
      }
      "tpu.region"() ({
        %run_scoped3A = tpu.sem_alloc : memref<!tpu.dma_semaphore, #tpu.memory_space<semaphore_mem>>
        %dma_start3A_470 = arith.constant 0 : i32
        %dma_start3A_471 = tpu.memref_slice %arg10[%scan3A_214, %dma_start3A_470] : memref<2x120xi32, #tpu.memory_space<vmem>> -> memref<1x120xi32, #tpu.memory_space<vmem>>
        %dma_start3A_472 = tpu.memref_squeeze %dma_start3A_471 : memref<1x120xi32, #tpu.memory_space<vmem>> -> memref<120xi32, #tpu.memory_space<vmem>>
        %dma_start3A_473 = arith.constant 0 : i32
        %dma_start3A_474 = arith.constant 0 : i32
        %dma_start3A_475 = tpu.memref_slice %arg30[%dma_start3A_473, %dma_start3A_474] : memref<10000x128xbf16, #tpu.memory_space<vmem_shared>> -> memref<10000x128xbf16, #tpu.memory_space<vmem_shared>>
        tpu.enqueue_indirect_dma source(%arg16 : memref<120x128xbf16, #tpu.memory_space<vmem>>) target(%dma_start3A_475 : memref<10000x128xbf16, #tpu.memory_space<vmem_shared>>) offsets(%dma_start3A_472 : memref<120xi32, #tpu.memory_space<vmem>>) semaphore(%run_scoped3A : memref<!tpu.dma_semaphore, #tpu.memory_space<semaphore_mem>>) {add = true}
        %dma_wait3A_476 = arith.constant 0 : i32
        %dma_wait3A_477 = tpu.memref_slice %arg10[%scan3A_214, %dma_wait3A_476] : memref<2x120xi32, #tpu.memory_space<vmem>> -> memref<1x120xi32, #tpu.memory_space<vmem>>
        %dma_wait3A_478 = tpu.memref_squeeze %dma_wait3A_477 : memref<1x120xi32, #tpu.memory_space<vmem>> -> memref<120xi32, #tpu.memory_space<vmem>>
        %dma_wait3A_479 = arith.constant 0 : i32
        %dma_wait3A_480 = arith.constant 0 : i32
        %dma_wait3A_481 = tpu.memref_slice %arg30[%dma_wait3A_479, %dma_wait3A_480] : memref<10000x128xbf16, #tpu.memory_space<vmem_shared>> -> memref<10000x128xbf16, #tpu.memory_space<vmem_shared>>
        tpu.wait_indirect_dma semaphore(%run_scoped3A : memref<!tpu.dma_semaphore, #tpu.memory_space<semaphore_mem>>) src(%arg16 : memref<120x128xbf16, #tpu.memory_space<vmem>>) dst(%dma_wait3A_481 : memref<10000x128xbf16, #tpu.memory_space<vmem_shared>>)
        tpu.yield
      }) : () -> ()
      %add3A_423 = arith.constant 6 : i32
      %add3A_424 = arith.addi %add3A_393, %add3A_423 : i32
      %lt3A_425 = arith.constant 84 : i32
      %lt3A_426 = arith.cmpi slt, %add3A_424, %lt3A_425 : i32
      %convert_element_type3A_427 = arith.extui %lt3A_426 : i1 to i32
      %cond3A_428 = arith.constant 0 : i32
      %cond3A_429 = arith.cmpi ne, %convert_element_type3A_427, %cond3A_428 : i32
      scf.if %cond3A_429 {
        %add3A_470 = arith.constant 6 : i32
        %add3A_471 = arith.addi %add3A_393, %add3A_470 : i32
        %add3A_472 = arith.addi %mul3A_2, %add3A_471 : i32
        %dma_start3A_473 = arith.constant 0 : i32
        %dma_start3A_474 = arith.constant 0 : i32
        %dma_start3A_475 = tpu.memref_slice %arg2[%add3A_472, %dma_start3A_473, %dma_start3A_474] : memref<2688x2x120xi32, #tpu.memory_space<hbm>> -> memref<1x2x120xi32, #tpu.memory_space<hbm>>
        %dma_start3A_476 = tpu.memref_squeeze %dma_start3A_475 : memref<1x2x120xi32, #tpu.memory_space<hbm>> -> memref<2x120xi32, #tpu.memory_space<hbm>>
        %dma_start3A_477 = arith.constant 0 : i32
        %dma_start3A_478 = arith.constant 0 : i32
        %dma_start3A_479 = tpu.memref_slice %arg2[%add3A_472, %dma_start3A_477, %dma_start3A_478] : memref<2688x2x120xi32, #tpu.memory_space<hbm>> -> memref<1x2x120xi32, #tpu.memory_space<hbm>>
        %dma_start3A_480 = tpu.memref_squeeze %dma_start3A_479 : memref<1x2x120xi32, #tpu.memory_space<hbm>> -> memref<2x120xi32, #tpu.memory_space<hbm>>
        tpu.enqueue_dma source(%dma_start3A_480 : memref<2x120xi32, #tpu.memory_space<hbm>>) target(%arg10 : memref<2x120xi32, #tpu.memory_space<vmem>>) target_semaphore(%arg22 : memref<!tpu.dma_semaphore, #tpu.memory_space<semaphore_mem>>)
      } else {
      }
      %mul3A_430 = arith.constant 6 : i32
      %mul3A_431 = arith.muli %scan3A_231, %mul3A_430 : i32
      %add3A_432 = arith.constant 5 : i32
      %add3A_433 = arith.addi %mul3A_431, %add3A_432 : i32
      %dma_wait3A_434 = arith.constant 0 : i32
      %dma_wait3A_435 = arith.constant 0 : i32
      %dma_wait3A_436 = arith.constant 0 : i32
      %dma_wait3A_437 = tpu.memref_slice %arg17[%dma_wait3A_435, %dma_wait3A_436] : memref<120x128xbf16, #tpu.memory_space<vmem>> -> memref<64x128xbf16, #tpu.memory_space<vmem>>
      %dma_wait3A_438 = arith.constant 0 : i32
      %dma_wait3A_439 = tpu.memref_slice %arg11[%dma_wait3A_434, %dma_wait3A_438] : memref<2x120xi32, #tpu.memory_space<vmem>> -> memref<1x64xi32, #tpu.memory_space<vmem>>
      %dma_wait3A_440 = tpu.memref_squeeze %dma_wait3A_439 : memref<1x64xi32, #tpu.memory_space<vmem>> -> memref<64xi32, #tpu.memory_space<vmem>>
      %dma_wait3A_441 = arith.constant 0 : i32
      %dma_wait3A_442 = arith.constant 0 : i32
      %dma_wait3A_443 = tpu.memref_slice %arg3[%dma_wait3A_441, %dma_wait3A_442] : memref<10008x128xbf16, #tpu.memory_space<hbm>> -> memref<10008x128xbf16, #tpu.memory_space<hbm>>
      tpu.wait_indirect_dma semaphore(%arg29 : memref<!tpu.dma_semaphore, #tpu.memory_space<semaphore_mem>>) src(%dma_wait3A_443 : memref<10008x128xbf16, #tpu.memory_space<hbm>>) dst(%dma_wait3A_437 : memref<64x128xbf16, #tpu.memory_space<vmem>>)
      %dma_wait3A_444 = arith.constant 0 : i32
      %dma_wait3A_445 = arith.constant 64 : i32
      %dma_wait3A_446 = arith.constant 0 : i32
      %dma_wait3A_447 = tpu.memref_slice %arg17[%dma_wait3A_445, %dma_wait3A_446] : memref<120x128xbf16, #tpu.memory_space<vmem>> -> memref<56x128xbf16, #tpu.memory_space<vmem>>
      %dma_wait3A_448 = arith.constant 64 : i32
      %dma_wait3A_449 = tpu.memref_slice %arg11[%dma_wait3A_444, %dma_wait3A_448] : memref<2x120xi32, #tpu.memory_space<vmem>> -> memref<1x56xi32, #tpu.memory_space<vmem>>
      %dma_wait3A_450 = tpu.memref_squeeze %dma_wait3A_449 : memref<1x56xi32, #tpu.memory_space<vmem>> -> memref<56xi32, #tpu.memory_space<vmem>>
      %dma_wait3A_451 = arith.constant 0 : i32
      %dma_wait3A_452 = arith.constant 0 : i32
      %dma_wait3A_453 = tpu.memref_slice %arg3[%dma_wait3A_451, %dma_wait3A_452] : memref<10008x128xbf16, #tpu.memory_space<hbm>> -> memref<10008x128xbf16, #tpu.memory_space<hbm>>
      tpu.wait_indirect_dma semaphore(%arg29 : memref<!tpu.dma_semaphore, #tpu.memory_space<semaphore_mem>>) src(%dma_wait3A_453 : memref<10008x128xbf16, #tpu.memory_space<hbm>>) dst(%dma_wait3A_447 : memref<56x128xbf16, #tpu.memory_space<vmem>>)
      %add3A_454 = arith.constant 6 : i32
      %add3A_455 = arith.addi %add3A_433, %add3A_454 : i32
      %sub3A_456 = arith.constant 1 : i32
      %sub3A_457 = arith.subi %add3A_455, %sub3A_456 : i32
      %lt3A_458 = arith.constant 84 : i32
      %lt3A_459 = arith.cmpi slt, %sub3A_457, %lt3A_458 : i32
      %convert_element_type3A_460 = arith.extui %lt3A_459 : i1 to i32
      %cond3A_461 = arith.constant 0 : i32
      %cond3A_462 = arith.cmpi ne, %convert_element_type3A_460, %cond3A_461 : i32
      scf.if %cond3A_462 {
        %dma_wait3A_470 = arith.constant 0 : i32
        %dma_wait3A_471 = arith.constant 0 : i32
        %dma_wait3A_472 = arith.constant 0 : i32
        %dma_wait3A_473 = tpu.memref_slice %arg2[%dma_wait3A_470, %dma_wait3A_471, %dma_wait3A_472] : memref<2688x2x120xi32, #tpu.memory_space<hbm>> -> memref<1x2x120xi32, #tpu.memory_space<hbm>>
        %dma_wait3A_474 = tpu.memref_squeeze %dma_wait3A_473 : memref<1x2x120xi32, #tpu.memory_space<hbm>> -> memref<2x120xi32, #tpu.memory_space<hbm>>
        %dma_wait3A_475 = arith.constant 0 : i32
        %dma_wait3A_476 = arith.constant 0 : i32
        %dma_wait3A_477 = tpu.memref_slice %arg2[%dma_wait3A_470, %dma_wait3A_475, %dma_wait3A_476] : memref<2688x2x120xi32, #tpu.memory_space<hbm>> -> memref<1x2x120xi32, #tpu.memory_space<hbm>>
        %dma_wait3A_478 = tpu.memref_squeeze %dma_wait3A_477 : memref<1x2x120xi32, #tpu.memory_space<hbm>> -> memref<2x120xi32, #tpu.memory_space<hbm>>
        tpu.wait_dma2 semaphore(%arg22 : memref<!tpu.dma_semaphore, #tpu.memory_space<semaphore_mem>>) src(%dma_wait3A_478 : memref<2x120xi32, #tpu.memory_space<hbm>>) dst(%arg10 : memref<2x120xi32, #tpu.memory_space<vmem>>)
        %dma_start3A_479 = arith.constant 0 : i32
        %dma_start3A_480 = arith.constant 0 : i32
        %dma_start3A_481 = arith.constant 0 : i32
        %dma_start3A_482 = tpu.memref_slice %arg16[%dma_start3A_480, %dma_start3A_481] : memref<120x128xbf16, #tpu.memory_space<vmem>> -> memref<64x128xbf16, #tpu.memory_space<vmem>>
        %dma_start3A_483 = arith.constant 0 : i32
        %dma_start3A_484 = tpu.memref_slice %arg10[%dma_start3A_479, %dma_start3A_483] : memref<2x120xi32, #tpu.memory_space<vmem>> -> memref<1x64xi32, #tpu.memory_space<vmem>>
        %dma_start3A_485 = tpu.memref_squeeze %dma_start3A_484 : memref<1x64xi32, #tpu.memory_space<vmem>> -> memref<64xi32, #tpu.memory_space<vmem>>
        %dma_start3A_486 = arith.constant 0 : i32
        %dma_start3A_487 = arith.constant 0 : i32
        %dma_start3A_488 = tpu.memref_slice %arg3[%dma_start3A_486, %dma_start3A_487] : memref<10008x128xbf16, #tpu.memory_space<hbm>> -> memref<10008x128xbf16, #tpu.memory_space<hbm>>
        tpu.enqueue_indirect_dma source(%dma_start3A_488 : memref<10008x128xbf16, #tpu.memory_space<hbm>>) target(%dma_start3A_482 : memref<64x128xbf16, #tpu.memory_space<vmem>>) offsets(%dma_start3A_485 : memref<64xi32, #tpu.memory_space<vmem>>) semaphore(%arg28 : memref<!tpu.dma_semaphore, #tpu.memory_space<semaphore_mem>>)
        %dma_start3A_489 = arith.constant 0 : i32
        %dma_start3A_490 = arith.constant 64 : i32
        %dma_start3A_491 = arith.constant 0 : i32
        %dma_start3A_492 = tpu.memref_slice %arg16[%dma_start3A_490, %dma_start3A_491] : memref<120x128xbf16, #tpu.memory_space<vmem>> -> memref<56x128xbf16, #tpu.memory_space<vmem>>
        %dma_start3A_493 = arith.constant 64 : i32
        %dma_start3A_494 = tpu.memref_slice %arg10[%dma_start3A_489, %dma_start3A_493] : memref<2x120xi32, #tpu.memory_space<vmem>> -> memref<1x56xi32, #tpu.memory_space<vmem>>
        %dma_start3A_495 = tpu.memref_squeeze %dma_start3A_494 : memref<1x56xi32, #tpu.memory_space<vmem>> -> memref<56xi32, #tpu.memory_space<vmem>>
        %dma_start3A_496 = arith.constant 0 : i32
        %dma_start3A_497 = arith.constant 0 : i32
        %dma_start3A_498 = tpu.memref_slice %arg3[%dma_start3A_496, %dma_start3A_497] : memref<10008x128xbf16, #tpu.memory_space<hbm>> -> memref<10008x128xbf16, #tpu.memory_space<hbm>>
        tpu.enqueue_indirect_dma source(%dma_start3A_498 : memref<10008x128xbf16, #tpu.memory_space<hbm>>) target(%dma_start3A_492 : memref<56x128xbf16, #tpu.memory_space<vmem>>) offsets(%dma_start3A_495 : memref<56xi32, #tpu.memory_space<vmem>>) semaphore(%arg28 : memref<!tpu.dma_semaphore, #tpu.memory_space<semaphore_mem>>)
      } else {
      }
      "tpu.region"() ({
        %run_scoped3A = tpu.sem_alloc : memref<!tpu.dma_semaphore, #tpu.memory_space<semaphore_mem>>
        %dma_start3A_470 = arith.constant 0 : i32
        %dma_start3A_471 = tpu.memref_slice %arg11[%scan3A_215, %dma_start3A_470] : memref<2x120xi32, #tpu.memory_space<vmem>> -> memref<1x120xi32, #tpu.memory_space<vmem>>
        %dma_start3A_472 = tpu.memref_squeeze %dma_start3A_471 : memref<1x120xi32, #tpu.memory_space<vmem>> -> memref<120xi32, #tpu.memory_space<vmem>>
        %dma_start3A_473 = arith.constant 0 : i32
        %dma_start3A_474 = arith.constant 0 : i32
        %dma_start3A_475 = tpu.memref_slice %arg30[%dma_start3A_473, %dma_start3A_474] : memref<10000x128xbf16, #tpu.memory_space<vmem_shared>> -> memref<10000x128xbf16, #tpu.memory_space<vmem_shared>>
        tpu.enqueue_indirect_dma source(%arg17 : memref<120x128xbf16, #tpu.memory_space<vmem>>) target(%dma_start3A_475 : memref<10000x128xbf16, #tpu.memory_space<vmem_shared>>) offsets(%dma_start3A_472 : memref<120xi32, #tpu.memory_space<vmem>>) semaphore(%run_scoped3A : memref<!tpu.dma_semaphore, #tpu.memory_space<semaphore_mem>>) {add = true}
        %dma_wait3A_476 = arith.constant 0 : i32
        %dma_wait3A_477 = tpu.memref_slice %arg11[%scan3A_215, %dma_wait3A_476] : memref<2x120xi32, #tpu.memory_space<vmem>> -> memref<1x120xi32, #tpu.memory_space<vmem>>
        %dma_wait3A_478 = tpu.memref_squeeze %dma_wait3A_477 : memref<1x120xi32, #tpu.memory_space<vmem>> -> memref<120xi32, #tpu.memory_space<vmem>>
        %dma_wait3A_479 = arith.constant 0 : i32
        %dma_wait3A_480 = arith.constant 0 : i32
        %dma_wait3A_481 = tpu.memref_slice %arg30[%dma_wait3A_479, %dma_wait3A_480] : memref<10000x128xbf16, #tpu.memory_space<vmem_shared>> -> memref<10000x128xbf16, #tpu.memory_space<vmem_shared>>
        tpu.wait_indirect_dma semaphore(%run_scoped3A : memref<!tpu.dma_semaphore, #tpu.memory_space<semaphore_mem>>) src(%arg17 : memref<120x128xbf16, #tpu.memory_space<vmem>>) dst(%dma_wait3A_481 : memref<10000x128xbf16, #tpu.memory_space<vmem_shared>>)
        tpu.yield
      }) : () -> ()
      %add3A_463 = arith.constant 6 : i32
      %add3A_464 = arith.addi %add3A_433, %add3A_463 : i32
      %lt3A_465 = arith.constant 84 : i32
      %lt3A_466 = arith.cmpi slt, %add3A_464, %lt3A_465 : i32
      %convert_element_type3A_467 = arith.extui %lt3A_466 : i1 to i32
      %cond3A_468 = arith.constant 0 : i32
      %cond3A_469 = arith.cmpi ne, %convert_element_type3A_467, %cond3A_468 : i32
      scf.if %cond3A_469 {
        %add3A_470 = arith.constant 6 : i32
        %add3A_471 = arith.addi %add3A_433, %add3A_470 : i32
        %add3A_472 = arith.addi %mul3A_2, %add3A_471 : i32
        %dma_start3A_473 = arith.constant 0 : i32
        %dma_start3A_474 = arith.constant 0 : i32
        %dma_start3A_475 = tpu.memref_slice %arg2[%add3A_472, %dma_start3A_473, %dma_start3A_474] : memref<2688x2x120xi32, #tpu.memory_space<hbm>> -> memref<1x2x120xi32, #tpu.memory_space<hbm>>
        %dma_start3A_476 = tpu.memref_squeeze %dma_start3A_475 : memref<1x2x120xi32, #tpu.memory_space<hbm>> -> memref<2x120xi32, #tpu.memory_space<hbm>>
        %dma_start3A_477 = arith.constant 0 : i32
        %dma_start3A_478 = arith.constant 0 : i32
        %dma_start3A_479 = tpu.memref_slice %arg2[%add3A_472, %dma_start3A_477, %dma_start3A_478] : memref<2688x2x120xi32, #tpu.memory_space<hbm>> -> memref<1x2x120xi32, #tpu.memory_space<hbm>>
        %dma_start3A_480 = tpu.memref_squeeze %dma_start3A_479 : memref<1x2x120xi32, #tpu.memory_space<hbm>> -> memref<2x120xi32, #tpu.memory_space<hbm>>
        tpu.enqueue_dma source(%dma_start3A_480 : memref<2x120xi32, #tpu.memory_space<hbm>>) target(%arg11 : memref<2x120xi32, #tpu.memory_space<vmem>>) target_semaphore(%arg23 : memref<!tpu.dma_semaphore, #tpu.memory_space<semaphore_mem>>)
      } else {
      }
    }
    %scan3A_220 = arith.constant 14 : i32
    %barrier3A_221 = arith.constant 0 : index
    tpu.barrier barrier_id(%barrier3A_221)
    %mul3A_222 = arith.constant 624 : i32
    %mul3A_223 = arith.muli %arg1, %mul3A_222 : i32
    %mul3A_224 = arith.constant 624 : i32
    %mul3A_225 = arith.muli %arg1, %mul3A_224 : i32
    "tpu.region"() ({
      %run_scoped3A = tpu.sem_alloc : memref<!tpu.dma_semaphore, #tpu.memory_space<semaphore_mem>>
      %dma_start3A_231 = arith.constant 0 : i32
      %dma_start3A_232 = tpu.memref_slice %arg5[%arg0, %mul3A_225, %dma_start3A_231] : memref<2x10000x128xbf16, #tpu.memory_space<hbm>> -> memref<1x624x128xbf16, #tpu.memory_space<hbm>>
      %dma_start3A_233 = tpu.memref_squeeze %dma_start3A_232 : memref<1x624x128xbf16, #tpu.memory_space<hbm>> -> memref<624x128xbf16, #tpu.memory_space<hbm>>
      %dma_start3A_234 = arith.constant 0 : i32
      %dma_start3A_235 = tpu.memref_slice %arg30[%mul3A_223, %dma_start3A_234] : memref<10000x128xbf16, #tpu.memory_space<vmem_shared>> -> memref<624x128xbf16, #tpu.memory_space<vmem_shared>>
      tpu.enqueue_dma source(%dma_start3A_235 : memref<624x128xbf16, #tpu.memory_space<vmem_shared>>) target(%dma_start3A_233 : memref<624x128xbf16, #tpu.memory_space<hbm>>) target_semaphore(%run_scoped3A : memref<!tpu.dma_semaphore, #tpu.memory_space<semaphore_mem>>)
      %dma_wait3A_236 = arith.constant 0 : i32
      %dma_wait3A_237 = tpu.memref_slice %arg5[%arg0, %mul3A_225, %dma_wait3A_236] : memref<2x10000x128xbf16, #tpu.memory_space<hbm>> -> memref<1x624x128xbf16, #tpu.memory_space<hbm>>
      %dma_wait3A_238 = tpu.memref_squeeze %dma_wait3A_237 : memref<1x624x128xbf16, #tpu.memory_space<hbm>> -> memref<624x128xbf16, #tpu.memory_space<hbm>>
      %dma_wait3A_239 = arith.constant 0 : i32
      %dma_wait3A_240 = tpu.memref_slice %arg30[%mul3A_223, %dma_wait3A_239] : memref<10000x128xbf16, #tpu.memory_space<vmem_shared>> -> memref<624x128xbf16, #tpu.memory_space<vmem_shared>>
      tpu.wait_dma2 semaphore(%run_scoped3A : memref<!tpu.dma_semaphore, #tpu.memory_space<semaphore_mem>>) src(%dma_wait3A_240 : memref<624x128xbf16, #tpu.memory_space<vmem_shared>>) dst(%dma_wait3A_238 : memref<624x128xbf16, #tpu.memory_space<hbm>>)
      tpu.yield
    }) : () -> ()
    %eq3A_226 = arith.constant 15 : i32
    %eq3A_227 = arith.cmpi eq, %arg1, %eq3A_226 : i32
    %convert_element_type3A_228 = arith.extui %eq3A_227 : i1 to i32
    %cond3A_229 = arith.constant 0 : i32
    %cond3A_230 = arith.cmpi ne, %convert_element_type3A_228, %cond3A_229 : i32
    scf.if %cond3A_230 {
      "tpu.region"() ({
        %run_scoped3A = tpu.sem_alloc : memref<!tpu.dma_semaphore, #tpu.memory_space<semaphore_mem>>
        %dma_start3A_231 = arith.constant 9984 : i32
        %dma_start3A_232 = arith.constant 0 : i32
        %dma_start3A_233 = tpu.memref_slice %arg5[%arg0, %dma_start3A_231, %dma_start3A_232] : memref<2x10000x128xbf16, #tpu.memory_space<hbm>> -> memref<1x16x128xbf16, #tpu.memory_space<hbm>>
        %dma_start3A_234 = tpu.memref_squeeze %dma_start3A_233 : memref<1x16x128xbf16, #tpu.memory_space<hbm>> -> memref<16x128xbf16, #tpu.memory_space<hbm>>
        %dma_start3A_235 = arith.constant 9984 : i32
        %dma_start3A_236 = arith.constant 0 : i32
        %dma_start3A_237 = tpu.memref_slice %arg30[%dma_start3A_235, %dma_start3A_236] : memref<10000x128xbf16, #tpu.memory_space<vmem_shared>> -> memref<16x128xbf16, #tpu.memory_space<vmem_shared>>
        tpu.enqueue_dma source(%dma_start3A_237 : memref<16x128xbf16, #tpu.memory_space<vmem_shared>>) target(%dma_start3A_234 : memref<16x128xbf16, #tpu.memory_space<hbm>>) target_semaphore(%run_scoped3A : memref<!tpu.dma_semaphore, #tpu.memory_space<semaphore_mem>>)
        %dma_wait3A_238 = arith.constant 9984 : i32
        %dma_wait3A_239 = arith.constant 0 : i32
        %dma_wait3A_240 = tpu.memref_slice %arg5[%arg0, %dma_wait3A_238, %dma_wait3A_239] : memref<2x10000x128xbf16, #tpu.memory_space<hbm>> -> memref<1x16x128xbf16, #tpu.memory_space<hbm>>
        %dma_wait3A_241 = tpu.memref_squeeze %dma_wait3A_240 : memref<1x16x128xbf16, #tpu.memory_space<hbm>> -> memref<16x128xbf16, #tpu.memory_space<hbm>>
        %dma_wait3A_242 = arith.constant 9984 : i32
        %dma_wait3A_243 = arith.constant 0 : i32
        %dma_wait3A_244 = tpu.memref_slice %arg30[%dma_wait3A_242, %dma_wait3A_243] : memref<10000x128xbf16, #tpu.memory_space<vmem_shared>> -> memref<16x128xbf16, #tpu.memory_space<vmem_shared>>
        tpu.wait_dma2 semaphore(%run_scoped3A : memref<!tpu.dma_semaphore, #tpu.memory_space<semaphore_mem>>) src(%dma_wait3A_244 : memref<16x128xbf16, #tpu.memory_space<vmem_shared>>) dst(%dma_wait3A_241 : memref<16x128xbf16, #tpu.memory_space<hbm>>)
        tpu.yield
      }) : () -> ()
    } else {
    }
    return
  }
}

</mosaic_0001>

<sc_bundles>
// kernel: kernel.3.cloned.1.call-start
scs
__scs_entry_jumppad:
0x0: {  	(pc) =	sbr.rel $0x88, $3  }
0x1: {  	(tag) =	ssettag $0x0;
	lr =	simm.s32 $0x1  }
0x2: {  	[smem:$0x3F9F] =	sst lr;
	_ =	strace $0xD0000000  }
0x3: {  	_ = 	snop  }
0x4: {  	_ = 	snop  }
0x5: {  	_ = 	snop  }
0x6: {  	_ = 	snop  }
0x7: {  	_ = 	snop  }
__scs_overlays_trampoline_lowered:
0x8: {  	[smem:$0x3FAE] =	sst s0  }
0x9: {  	[smem:$0x3FAF] =	sst s1  }
0xa: {  	[smem:$0x3FB0] =	sst s2  }
0xb: {  	[smem:$0x3FB1] =	sst s3  }
0xc: {  	[smem:$0x3FB2] =	sst s4  }
0xd: {  	[smem:$0x3FB3] =	sst s5  }
0xe: {  	[smem:$0x3FB4] =	sst s6  }
0xf: {  	[smem:$0x3FB5] =	sst s7  }
0x10: {  	[smem:$0x3FB6] =	sst s8  }
0x11: {  	[smem:$0x3FB7] =	sst s9;
	s0 =	simm.s32 @!p0 $0x0  }
0x12: {  	s1 =	sld [smem:$0x3F9D];
	s0 =	simm.s32 @p0 $0x1  }
0x13: {  	[smem:$0x3FB8] =	sst s0;
	s0 =	simm.s32 @!p1 $0x0  }
0x14: {  	s2 =	sld [smem:$0x3F9C];
	s0 =	simm.s32 @p1 $0x1  }
0x15: {  	[smem:$0x3FB9] =	sst s0;
	s0 =	simm.s32 @!p2 $0x0  }
0x16: {  	s3 =	sld [smem:$0x3FDB];
	s0 =	simm.s32 @p2 $0x1  }
0x17: {  	s4 =	simm.s32 $0x1BF5;
	[smem:$0x3FBB] =	sst s0  }
0x18: {  	s0 =	sld [smem:$0x3F9E];
	_ =	swait.ge [sflag:s4], $0x0  }
0x19: {  	s7 =	sld [smem:$0x3F9F]  }
0x1a: {  	s8 =	sadd.s32 $0xFFFFE003, lr  }
0x1b: {  	s9 =	sadd.s32 $0xFFFFFEF7, lr;
	s5 =	simm.s32 $0xFFFFFFFF;
	p2 =	slt.u32 s8, $0xFFFFF086  }
0x1c: {  	p1 =	slt.u32 s9, $0xF7A;
	s5 =	simm.s32 @!p2 $0x0  }
0x1d: {  	s5 =	simm.s32 @p1 $0x1;
	p0 =	seq.s32 s7, s2  }
0x1e: {  	s7 =	smul.u32 @!p0 $0xF7A, s2;
	p2 =	seq.s32 @!p0 s5, $0x0  }
0x1f: {  	s9 =	smul.u32 $0xF7A, s1;
	s8 =	simm.s32 @!p0 $0x1BF5;
	p2 =	por !p2, p0  }
0x20: {  	[sflag:s8] =	ssyncset.s32 @!p0 $0xFFFFF086;
	s6 =	sadd.s32 @!p0 s3, s7;
	s7 =	simm.s32 @!p0 $0x108  }
0x21: {  	s3 =	sadd.s32 s3, s9;
	s6 =	sadd.s32 @!p0 $0x88, s6;
	s7 =	simm.s32 @p2 $0x1082  }
0x22: {  	[simem:s7], [sflag:s8] =	dma.local @!p0 [hbm:s6], $0xF7A  }
0x23: {  	s9 =	sor.u32 $0xD0000000, s2;
	s6 =	simm.s32 $0x108;
	_ =	swait.ge @!p0 [sflag:s8], $0x0  }
0x24: {  	s3 =	sadd.s32 $0x88, s3;
	s6 =	simm.s32 @!p1 $0x1082;
	[sflag:s4] =	ssyncset.s32 $0xFFFFF086  }
0x25: {  	[simem:s6], [sflag:s4] =	dma.local [hbm:s3], $0xF7A  }
0x26: {  	[smem:$0x3F9F] =	sst s1;
	(tag) =	ssettag s2;
	_ =	strace s9  }
0x27: {  	s1 =	sld [smem:$0x3FAF]  }
0x28: {  	s2 =	sld [smem:$0x3FB0]  }
0x29: {  	s4 =	sld [smem:$0x3FB2]  }
0x2a: {  	p0 =	seq.s32 s5, $0x0;
	s5 =	sld [smem:$0x3FB3]  }
0x2b: {  	s6 =	sld [smem:$0x3FB4]  }
0x2c: {  	s7 =	sld [smem:$0x3FB5]  }
0x2d: {  	s3 =	simm.s32 $0x108;
	s8 =	sld [smem:$0x3FB6]  }
0x2e: {  	s3 =	simm.s32 @!p0 $0x1082;
	s9 =	sld [smem:$0x3FB7]  }
0x2f: {  	lr =	sadd.s32 s0, s3;
	s0 =	sld [smem:$0x3FAE]  }
0x30: {  	s3 =	sld [smem:$0x3FB1]  }
0x31: {  	[smem:$0x3FBA] =	sst s10  }
0x32: {  	s10 =	sld [smem:$0x3FB8];
	_ =	sdelay $0x3  }
0x33: {  	p0 =	seq.s32 s10, $0x1;
	s10 =	sld [smem:$0x3FBA];
	_ =	sdelay $0x3  }
0x34: {  	[smem:$0x3FBA] =	sst s10  }
0x35: {  	s10 =	sld [smem:$0x3FB9];
	_ =	sdelay $0x3  }
0x36: {  	p1 =	seq.s32 s10, $0x1;
	s10 =	sld [smem:$0x3FBA];
	_ =	sdelay $0x3  }
0x37: {  	[smem:$0x3FBA] =	sst s10  }
0x38: {  	s10 =	sld [smem:$0x3FBB]  }
0x39: {  	_ = 	snop;
	(pc) =	sbr.ind lr, $3  }
0x3a: {  	_ = 	snop  }
0x3b: {  	_ = 	snop  }
0x3c: {  	p2 =	seq.s32 s10, $0x1;
	s10 =	sld [smem:$0x3FBA]  }
0x3d: {  	_ =	shalt  }
0x3e: {  	_ =	shalt  }
0x3f: {  	_ =	shalt  }
0x40: {  	_ =	shalt  }
0x41: {  	_ =	shalt  }
0x42: {  	_ =	shalt  }
0x43: {  	_ =	shalt  }
0x44: {  	_ =	shalt  }
0x45: {  	_ =	shalt  }
0x46: {  	_ =	shalt  }
0x47: {  	_ =	shalt  }
0x48: {  	_ =	shalt  }
0x49: {  	_ =	shalt  }
0x4a: {  	_ =	shalt  }
0x4b: {  	_ =	shalt  }
0x4c: {  	_ =	shalt  }
0x4d: {  	_ =	shalt  }
0x4e: {  	_ =	shalt  }
0x4f: {  	_ =	shalt  }
0x50: {  	_ =	shalt  }
0x51: {  	_ =	shalt  }
0x52: {  	_ =	shalt  }
0x53: {  	_ =	shalt  }
0x54: {  	_ =	shalt  }
0x55: {  	_ =	shalt  }
0x56: {  	_ =	shalt  }
0x57: {  	_ =	shalt  }
0x58: {  	_ =	shalt  }
0x59: {  	_ =	shalt  }
0x5a: {  	_ =	shalt  }
0x5b: {  	_ =	shalt  }
0x5c: {  	_ =	shalt  }
0x5d: {  	_ =	shalt  }
0x5e: {  	_ =	shalt  }
0x5f: {  	_ =	shalt  }
0x60: {  	_ =	shalt  }
0x61: {  	_ =	shalt  }
0x62: {  	_ =	shalt  }
0x63: {  	_ =	shalt  }
0x64: {  	_ =	shalt  }
0x65: {  	_ =	shalt  }
0x66: {  	_ =	shalt  }
0x67: {  	_ =	shalt  }
0x68: {  	_ =	shalt  }
0x69: {  	_ =	shalt  }
0x6a: {  	_ =	shalt  }
0x6b: {  	_ =	shalt  }
0x6c: {  	_ =	shalt  }
0x6d: {  	_ =	shalt  }
0x6e: {  	_ =	shalt  }
0x6f: {  	_ =	shalt  }
0x70: {  	_ =	shalt  }
0x71: {  	_ =	shalt  }
0x72: {  	_ =	shalt  }
0x73: {  	_ =	shalt  }
0x74: {  	_ =	shalt  }
0x75: {  	_ =	shalt  }
0x76: {  	_ =	shalt  }
0x77: {  	_ =	shalt  }
0x78: {  	_ =	shalt  }
0x79: {  	_ =	shalt  }
0x7a: {  	_ =	shalt  }
0x7b: {  	_ =	shalt  }
0x7c: {  	_ =	shalt  }
0x7d: {  	_ =	shalt  }
0x7e: {  	_ =	shalt  }
0x7f: {  	_ =	shalt  }
0x80: {  	_ =	shalt  }
0x81: {  	_ =	shalt  }
0x82: {  	_ =	shalt  }
0x83: {  	_ =	shalt  }
0x84: {  	_ =	shalt  }
0x85: {  	_ =	shalt  }
0x86: {  	_ =	shalt  }
0x87: {  	_ =	shalt  }
.Lfunc_end0:
.L_simem_size_0:
called_computation_lowered:
.L_overlay_start_0:
0x88: {  	s2 =	sld [smem:$0x3FD9]  }
0x89: {  	s3 =	sld [smem:$0x3FFE];
	_ =	sdelay $0x1  }
0x8a: {  	s1 =	srdreg.scid  }
0x8b: {  	s0 =	sand.u32 $0x1, s1  }
0x8c: {  	s17 =	sshll.u32 s0, $0xA;
	s2 =	sadd.s32 s3, s2  }
0x8d: {  	s2 =	sadd.s32 s2, s17  }
0x8e: {  	[smem:$0x3FC6] =	sst s2  }
0x8f: {  	_ = 	snop  }
0x90: {  	s2 =	sld [smem:$0x3FD0];
	(tm) =	ssettm $0x1  }
0x91: {  	s18 =	sld [smem:$0x3FFB];
	_ =	sdelay $0x3  }
0x92: {  	_ =	strace s18  }
0x93: {  	s3 =	sld [smem:$0x3FFC];
	_ =	sdelay $0x3  }
0x94: {  	_ =	strace s3  }
0x95: {  	s3 =	sld [smem:$0x3FFD];
	_ =	sdelay $0x3  }
0x96: {  	_ =	strace s3  }
0x97: {  	_ =	strace $0x8FFFFFFF  }
0x98: {  	s19 =	sld [smem:$0x3FDB];
	_ =	sdelay $0x1  }
0x99: {  	s4 =	simm.s32 $_scs_section_size  }
0x9a: {  	s5 =	simm.s32 $_size__tile_overlayer_lowered;
	s6 =	simm.s32 $_tile_overlayer_lowered  }
0x9b: {  	s22 =	simm.s32 $0x1BFF;
	s21 =	sshll.u32 s6, $0x1;
	s3 =	sadd.s32 s4, s19  }
0x9c: {  	s7 =	simm.s32 $0x0;
	s20 =	sshll.u32 s5, $0x1;
	s5 =	sadd.s32 s21, s3  }
0x9d: {  	[timem:s7], [sflag:s22] =	dma.local [hbm:s5], s20  }
0x9e: {  	_ =	swait.ge [sflag:s22], s20  }
0x9f: {  	s4 =	ssub.s32 $0x0, s20;
	[sflag:s22] =	ssyncset.done $0x0  }
0xa0: {  	[sflag:s22] =	ssyncadd.s32 s4;
	_ =	sdelay $0x1  }
0xa1: {  	s23 =	simm.s32 $0x1B8B  }
0xa2: {  	_ =	swait.ge [sflag:s23], $0x1  }
0xa3: {  	[sflag:s23] =	ssyncset.done $0x0  }
0xa4: {  	s25 =	simm.s32 $0x1B8E;
	s24 =	sld [smem:$0x3FFE];
	[sflag:s23] =	ssyncadd.s32 $0xFFFFFFFF  }
0xa5: {  	s26 =	simm.s32 $execute0_lowered;
	[smem:$0x3FD2] =	sst s25  }
0xa6: {  	s5 =	sshll.u32 s26, $0x1;
	_ =	strace $0x80000046;
	[dreg:$0x1] =	wrdreg $0xFFFFFFFF  }
0xa7: {  	s28 =	simm.s32 $_size_execute0_lowered;
	s3 =	sadd.s32 s3, s5;
	[dreg:$0x0] =	wrdreg $0x0  }
0xa8: {  	s5 =	sshll.u32 s28, $0x1;
	[dreg:$0x2] =	wrdreg s3  }
0xa9: {  	[dreg:$0x3] =	wrdreg s5  }
0xaa: {  	[dreg:$0x4] =	wrdreg $0xC0  }
0xab: {  	_ =	task [dreg:s7], $0x5FFFF  }
0xac: {  	[dreg:$0x1] =	wrdreg $0xFFFFFFFF  }
0xad: {  	[dreg:$0x0] =	wrdreg $0x60  }
0xae: {  	[dreg:$0x2] =	wrdreg s24  }
0xaf: {  	[dreg:$0x3] =	wrdreg s2  }
0xb0: {  	[dreg:$0x4] =	wrdreg $0xB9A00  }
0xb1: {  	[dreg:$0x5] =	wrdreg $0x9  }
0xb2: {  	_ =	task.clear_ibuf [dreg:s7], $0x6FFFF;
	_ =	strace $0x90000046  }
0xb3: {  	s29 =	simm.s32 $0x9;
	_ =	strace $0x80000048  }
0xb4: {  	_ =	swait.ge [sflag:s29], $0x1  }
0xb5: {  	[sflag:s29] =	ssyncadd.s32 $0xFFFFFFFF  }
0xb6: {  	_ =	strace $0x90000048  }
0xb7: {  	_ =	sfence  }
0xb8: {  	s30 =	sld [smem:$0x0];
	_ =	sdelay $0x2  }
0xb9: {  	s31 =	sshll.u32 s1, $0xD;
	s1 =	sshrl.u32 s1, $0x2  }
0xba: {  	s3 =	sand.u32 $0x4000, s31;
	s1 =	sadd.s32 s1, s30  }
0xbb: {  	s0 =	sor.u32 s3, s0;
	s1 =	sshll.u32 s1, $0x11  }
0xbc: {  	s0 =	sor.u32 s1, s0  }
0xbd: {  	s0 =	sadd.s32 $0x8F2B, s0  }
0xbe: {  	[sflag:s0] =	ssyncadd.remote.s32 $0x1  }
0xbf: {  	_ =	sfence.sel $0xFFFF  }
0xc0: {  	[dreg:$0x0] =	wrdreg $0xFFFFFFFF;
	(pc) =	sbr.abs _section_cstart, $3  }
0xc1: {  	[dreg:$0x1] =	wrdreg $0xFFFFFFFF  }
0xc2: {  	_ =	task.clear_ibuf [dreg:s7], $0x2FFFF;
	_ =	strace $0x9FFFFFFF  }
0xc3: {  	(tm) =	ssettm $0x7FFFFFFF  }
tec
execute0_lowered:
.L_overlay_start_1:
0x0: {  	(tag) =	ssettag $0x1  }
0x1: {  	s5 =	rddreg [dreg:$0x0]  }
0x2: {  	s0 =	rddreg [dreg:$0x1]  }
0x3: {  	s2 =	rddreg [dreg:$0x2]  }
0x4: {  	s4 =	simm.s32 $0x0;
	s1 =	srdreg.scid;
	s13 =	stileid.u32  }
0x5: {  	s18 =	simm.s32 $0xD;
	s28 =	simm.s32 $0x5A0;
	s29 =	simm.s32 $0x38  }
0x6: {  	s30 =	simm.s32 $0x41A0;
	s15 =	simm.s32 $0x78;
	s20 =	simm.s32 $0x168  }
0x7: {  	s19 =	simm.s32 $0x0;
	[smem:$0x7FF] =	sst s4;
	s1 =	sand.u32 $0x1, s1  }
0x8: {  	s7 =	smul.u32 $0x13800, s13;
	s8 =	sadd.s32 $0x14E00, s5;
	s5 =	sadd.s32 $0x1400, s5  }
0x9: {  	s12 =	sadd.s32 $0x9C000, s2;
	s26 =	smul.u32 $0x9D8, s13;
	p0 =	sne.s32 s13, $0xF  }
0xa: {  	s21 =	sshll.u32 s13, $0x6;
	_ =	strace $0x80000047;
	s23 =	smul.u32 $0x138800, s1  }
0xb: {  	s3 =	sshll.u32 s1, $0x4;
	s6 =	ssub.s32 $0x2, s1;
	s1 =	smul.u32 $0x9D80, s1  }
0xc: {  	s17 =	sshrl.u32 @!p0 s12, $0x3;
	s12 =	simm.s32 $0x9BA0;
	s3 =	sor.u32 s13, s3  }
0xd: {  	s9 =	sshrl.u32 s6, $0x1;
	s10 =	sshrl.u32 s7, $0x1;
	s13 =	simm.s32 $0x4F0  }
0xe: {  	[dreg:$0xf] =	wrdreg s17;
	s11 =	smul.u32 $0x4EC0, s3;
	s9 =	ssub.s32 s6, s9  }
0xf: {  	s10 =	sadd.s32 s10, s2;
	s3 =	smul.u32 $0x9D8, s3;
	s6 =	sor.u32 $0x1C0D, s21  }
0x10: {  	s7 =	sadd.s32 s7, s23;
	s1 =	sadd.s32 s1, s8;
	s21 =	simm.s32 $0x258  }
0x11: {  	s7 =	sshrl.u32 s7, $0x4;
	s31 =	smax.u32 s9, $0x1;
	s16 =	sadd.s32 s26, s1  }
0x12: {  	s26 =	simm.s32 $0x40;
	s9 =	simm.s32 $0x7DA0;
	[dreg:$0x4] =	wrdreg s6  }
0x13: {  	s11 =	sshrl.u32 s11, $0x3;
	s3 =	sadd.s32 s8, s3;
	[dreg:$0xd] =	wrdreg s31  }
0x14: {  	s7 =	sadd.s32 s0, s7;
	s11 =	sadd.s32 s8, s11;
	[dreg:$0x5] =	wrdreg s3  }
0x15: {  	s3 =	sshrl.u32 s23, $0x4;
	[dreg:$0xb] =	wrdreg s7;
	s8 =	sshrl.u32 s10, $0x3  }
0x16: {  	s7 =	simm.s32 $0x5FA0;
	s22 =	sadd.s32 $0x1E, s11;
	[dreg:$0xe] =	wrdreg s8  }
0x17: {  	s10 =	simm.s32 $0x7;
	s14 =	sadd.s32 $0x3C, s11;
	[dreg:$0x6] =	wrdreg s22  }
0x18: {  	s23 =	simm.s32 $0x438;
	s24 =	sadd.s32 $0x5A, s11;
	[dreg:$0x7] =	wrdreg s14  }
.Ltmp0:
0x19: {  	s25 =	sadd.s32 $0x78, s11;
	[dreg:$0x8] =	wrdreg s24;
	(pc) =	sbr.rel .LBB2_1-.Ltmp0, $4  }
0x1a: {  	s11 =	sadd.s32 $0x96, s11;
	s0 =	sadd.s32 s0, s3;
	[dreg:$0x9] =	wrdreg s25  }
0x1b: {  	[dreg:$0xa] =	wrdreg s11;
	s0 =	sadd.s32 $0x13800, s0;
	s24 =	simm.s32 $0x4B0  }
0x1c: {  	s11 =	simm.s32 $0x6;
	s14 =	simm.s32 $0xABA0;
	s22 =	simm.s32 $0x348  }
0x1d: {  	s25 =	simm.s32 $0x528;
	[dreg:$0xc] =	wrdreg s0;
	s0 =	simm.s32 $0x23A0  }
.LBB2_4:
0x1e: {  	[bflag:$0x0] =	sbarrier.arrive $0xFFFF  }
0x1f: {  	s6 =	rddreg [dreg:$0x4]  }
0x20: {  	s1 =	rddreg [dreg:$0xb]  }
0x21: {  	s8 =	rddreg [dreg:$0xe]  }
0x22: {  	[hbm:s1], [sflag:s6] =	dma.local [spmem:s8], $0x1380  }
0x23: {  	_ =	swait.ge [sflag:s18], $0x1380  }
0x24: {  	[sflag:s18] =	ssyncset.done $0x0;
	s1 =	rddreg [dreg:$0xc]  }
0x25: {  	s17 =	rddreg [dreg:$0xf];
	[sflag:s18] =	ssyncadd.s32 $0xFFFFEC80  }
0x26: {  	[hbm:s1], [sflag:s6] =	dma.local @!p0 [spmem:s17], $0x80  }
0x27: {  	s1 =	simm.s32 @!p0 $0xD  }
0x28: {  	_ =	swait.ge @!p0 [sflag:s1], $0x80  }
0x29: {  	s19 =	rddreg [dreg:$0x10]  }
0x2a: {  	s3 =	rddreg [dreg:$0xd];
	s19 =	sadd.s32 $0x1, s19  }
0x2b: {  	p1 =	sne.s32 s19, s3  }
.Ltmp1:
0x2c: {  	_ = 	snop;
	(pc) =	sbr.rel @!p1 .LBB2_5-.Ltmp1, $3  }
0x2d: {  	_ =	sdelay $0x1  }
0x2e: {  	[sflag:s1] =	ssyncset.done @!p0 $0x0  }
0x2f: {  	[sflag:s1] =	ssyncadd.s32 @!p0 $0xFFFFFF80  }
.LBB2_1:
0x30: {  	[dreg:$0x10] =	wrdreg s19  }
0x31: {  	s1 =	rddreg [dreg:$0x0]  }
0x32: {  	[spmem:s8], [sflag:s6] =	dma.local [hbm:s1], $0x1380  }
0x33: {  	_ =	swait.ge [sflag:s18], $0x1380  }
0x34: {  	[sflag:s18] =	ssyncset.done $0x0  }
0x35: {  	[sflag:s18] =	ssyncadd.s32 $0xFFFFEC80  }
0x36: {  	[spmem:s17], [sflag:s6] =	dma.local @!p0 [hbm:s1], $0x80  }
0x37: {  	s1 =	simm.s32 @!p0 $0xD  }
0x38: {  	_ =	swait.ge @!p0 [sflag:s1], $0x80  }
0x39: {  	[sflag:s1] =	ssyncset.done @!p0 $0x0  }
0x3a: {  	s6 =	rddreg [dreg:$0x5];
	[sflag:s1] =	ssyncadd.s32 @!p0 $0xFFFFFF80  }
0x3b: {  	[tilespmem:s4], [sflag:$0x1] =	stream.linear.gather [hbm4b:s6+s4], $0xF0, $0x38;
	[tilespmem:$0x155E0] =	vst v63  }
0x3c: {  	s3 =	simm.s32 $0xF0;
	s8 =	rddreg [dreg:$0x6]  }
0x3d: {  	[tilespmem:s3], [sflag:$0x2] =	stream.linear.gather [hbm4b:s8+s4], $0xF0, $0x38;
	[tilespmem:$0x155E0] =	vst v63  }
0x3e: {  	s17 =	rddreg [dreg:$0x7];
	s6 =	simm.s32 $0x1E0  }
0x3f: {  	[tilespmem:s6], [sflag:$0x3] =	stream.linear.gather [hbm4b:s17+s4], $0xF0, $0x38;
	[tilespmem:$0x155E0] =	vst v63  }
0x40: {  	s19 =	rddreg [dreg:$0x8];
	s8 =	simm.s32 $0x2D0  }
0x41: {  	[tilespmem:s8], [sflag:$0x4] =	stream.linear.gather [hbm4b:s19+s4], $0xF0, $0x38;
	[tilespmem:$0x155E0] =	vst v63  }
0x42: {  	s31 =	rddreg [dreg:$0x9];
	s17 =	simm.s32 $0x3C0  }
0x43: {  	[tilespmem:s17], [sflag:$0x5] =	stream.linear.gather [hbm4b:s31+s4], $0xF0, $0x38;
	[tilespmem:$0x155E0] =	vst v63  }
0x44: {  	s19 =	rddreg [dreg:$0xa];
	s31 =	simm.s32 $0x1  }
0x45: {  	[tilespmem:s24], [sflag:$0x6] =	stream.linear.gather [hbm4b:s19+s4], $0xF0, $0x38;
	[tilespmem:$0x155E0] =	vst v63  }
0x46: {  	_ =	swait.ge [sflag:s31], $0xF0  }
0x47: {  	[sflag:s31] =	ssyncset.done $0x0  }
0x48: {  	[sflag:s31] =	ssyncadd.s32 $0xFFFFFF10  }
0x49: {  	[tilespmem:s28], [sflag:$0x7] =	stream.indirect.gather [hbm4b:s5+s26], $0x40, s4, s26, $0xb8;
	[tilespmem:$0x155E0] =	vst v63  }
0x4a: {  	s19 =	simm.s32 $0x15A0;
	s31 =	simm.s32 $0x2  }
0x4b: {  	[tilespmem:s19], [sflag:$0x7] =	stream.indirect.gather [hbm4b:s5+s29], $0x40, s26, s29, $0xb8;
	[tilespmem:$0x155E0] =	vst v63  }
0x4c: {  	_ =	swait.ge [sflag:s31], $0xF0  }
0x4d: {  	[sflag:s31] =	ssyncset.done $0x0  }
0x4e: {  	[sflag:s31] =	ssyncadd.s32 $0xFFFFFF10  }
0x4f: {  	[tilespmem:s0], [sflag:$0x8] =	stream.indirect.gather [hbm4b:s5+s26], $0x40, s3, s26, $0xb8;
	[tilespmem:$0x155E0] =	vst v63  }
0x50: {  	s19 =	simm.s32 $0x130;
	s31 =	simm.s32 $0x33A0;
	s3 =	simm.s32 $0x3  }
0x51: {  	[tilespmem:s31], [sflag:$0x8] =	stream.indirect.gather [hbm4b:s5+s29], $0x40, s19, s29, $0xb8;
	[tilespmem:$0x155E0] =	vst v63  }
0x52: {  	_ =	swait.ge [sflag:s3], $0xF0  }
0x53: {  	[sflag:s3] =	ssyncset.done $0x0  }
0x54: {  	[sflag:s3] =	ssyncadd.s32 $0xFFFFFF10  }
0x55: {  	[tilespmem:s30], [sflag:$0x9] =	stream.indirect.gather [hbm4b:s5+s26], $0x40, s6, s26, $0xb8;
	[tilespmem:$0x155E0] =	vst v63  }
0x56: {  	s19 =	simm.s32 $0x51A0;
	s31 =	simm.s32 $0x4;
	s6 =	simm.s32 $0x220  }
0x57: {  	[tilespmem:s19], [sflag:$0x9] =	stream.indirect.gather [hbm4b:s5+s29], $0x40, s6, s29, $0xb8;
	[tilespmem:$0x155E0] =	vst v63  }
0x58: {  	_ =	swait.ge [sflag:s31], $0xF0  }
0x59: {  	[sflag:s31] =	ssyncset.done $0x0  }
0x5a: {  	[sflag:s31] =	ssyncadd.s32 $0xFFFFFF10  }
0x5b: {  	[tilespmem:s7], [sflag:$0xA] =	stream.indirect.gather [hbm4b:s5+s26], $0x40, s8, s26, $0xb8;
	[tilespmem:$0x155E0] =	vst v63  }
0x5c: {  	s3 =	simm.s32 $0x310;
	s6 =	simm.s32 $0x6FA0;
	s8 =	simm.s32 $0x5  }
0x5d: {  	[tilespmem:s6], [sflag:$0xA] =	stream.indirect.gather [hbm4b:s5+s29], $0x40, s3, s29, $0xb8;
	[tilespmem:$0x155E0] =	vst v63  }
0x5e: {  	_ =	swait.ge [sflag:s8], $0xF0  }
0x5f: {  	[sflag:s8] =	ssyncset.done $0x0  }
0x60: {  	[sflag:s8] =	ssyncadd.s32 $0xFFFFFF10  }
0x61: {  	[tilespmem:s9], [sflag:$0xB] =	stream.indirect.gather [hbm4b:s5+s26], $0x40, s17, s26, $0xb8;
	[tilespmem:$0x155E0] =	vst v63  }
0x62: {  	s19 =	simm.s32 $0x400;
	s31 =	simm.s32 $0x8DA0  }
0x63: {  	[tilespmem:s31], [sflag:$0xB] =	stream.indirect.gather [hbm4b:s5+s29], $0x40, s19, s29, $0xb8;
	[tilespmem:$0x155E0] =	vst v63  }
0x64: {  	s3 =	simm.s32 $0x0;
	[bflag:$0x0] =	sbarrier.arrive $0xFFFF  }
.LBB2_2:
0x65: {  	_ =	swait.ge [sflag:s10], $0x1000  }
0x66: {  	[sflag:s10] =	ssyncset.done $0x0  }
0x67: {  	[sflag:s10] =	ssyncadd.s32 $0xFFFFF000  }
0x68: {  	_ =	swait.ge [sflag:s10], $0xE00  }
0x69: {  	[sflag:s10] =	ssyncset.done $0x0  }
0x6a: {  	[sflag:s10] =	ssyncadd.s32 $0xFFFFF200  }
0x6b: {  	_ =	swait.ge [sflag:s11], $0xF0  }
0x6c: {  	[sflag:s11] =	ssyncset.done $0x0  }
0x6d: {  	[sflag:s11] =	ssyncadd.s32 $0xFFFFFF10  }
0x6e: {  	[tilespmem:s12], [sflag:$0xC] =	stream.indirect.gather [hbm4b:s5+s26], $0x40, s24, s26, $0xb8;
	[tilespmem:$0x155E0] =	vst v63  }
0x6f: {  	_ = 	snop  }
0x70: {  	[tilespmem:s14], [sflag:$0xC] =	stream.indirect.gather [hbm4b:s5+s29], $0x40, s13, s29, $0xb8;
	[tilespmem:$0x155E0] =	vst v63  }
0x71: {  	_ = 	snop  }
0x72: {  	[spmem:s2] =	stream.indirect.scatter.add.bf16 [tilespmem:s28], [sflag:$0xD], $0x40, s15, s15, $0xb8;
	[tilespmem:$0x155E0] =	vst v63  }
0x73: {  	_ =	swait.ge [sflag:s18], $0x1E00  }
0x74: {  	p1 =	seq.s32 s3, $0x924;
	[sflag:s18] =	ssyncset.done $0x0  }
0x75: {  	s8 =	simm.s32 @p1 $0x8;
	[sflag:s18] =	ssyncadd.s32 $0xFFFFE200  }
0x76: {  	_ =	swait.ge @p1 [sflag:s8], $0x1000  }
0x77: {  	[sflag:s8] =	ssyncset.done @p1 $0x0  }
0x78: {  	[sflag:s8] =	ssyncadd.s32 @p1 $0xFFFFF000  }
0x79: {  	_ =	swait.ge @p1 [sflag:s8], $0xE00  }
0x7a: {  	s1 =	sadd.s32 @!p1 s3, s16;
	[sflag:s8] =	ssyncset.done @p1 $0x0  }
0x7b: {  	s17 =	sadd.s32 @!p1 $0xB4, s1;
	[sflag:s8] =	ssyncadd.s32 @p1 $0xFFFFF200;
	s8 =	simm.s32 @!p1 $0x0  }
0x7c: {  	[tilespmem:s8], [sflag:$0x1] =	stream.linear.gather @!p1 [hbm4b:s17+s8], $0xF0, $0x38;
	[tilespmem:$0x155E0] =	vst v63  }
0x7d: {  	s17 =	simm.s32 @!p1 $0x8  }
0x7e: {  	_ =	swait.ge @!p1 [sflag:s17], $0x1000  }
0x7f: {  	[sflag:s17] =	ssyncset.done @!p1 $0x0  }
0x80: {  	[sflag:s17] =	ssyncadd.s32 @!p1 $0xFFFFF000  }
0x81: {  	_ =	swait.ge @!p1 [sflag:s17], $0xE00  }
0x82: {  	[sflag:s17] =	ssyncset.done @!p1 $0x0  }
0x83: {  	[sflag:s17] =	ssyncadd.s32 @!p1 $0xFFFFF200;
	s17 =	simm.s32 @!p1 $0x1  }
0x84: {  	_ =	swait.ge @!p1 [sflag:s17], $0xF0  }
0x85: {  	[sflag:s17] =	ssyncset.done @!p1 $0x0  }
0x86: {  	s19 =	simm.s32 @!p1 $0x5A0;
	[sflag:s17] =	ssyncadd.s32 @!p1 $0xFFFFFF10;
	s17 =	simm.s32 @!p1 $0x40  }
0x87: {  	[tilespmem:s19], [sflag:$0x7] =	stream.indirect.gather @!p1 [hbm4b:s5+s17], $0x40, s8, s17, $0xb8;
	[tilespmem:$0x155E0] =	vst v63  }
0x88: {  	s6 =	simm.s32 @!p1 $0x15A0;
	s19 =	simm.s32 @!p1 $0x38  }
0x89: {  	[tilespmem:s6], [sflag:$0x7] =	stream.indirect.gather @!p1 [hbm4b:s5+s19], $0x40, s17, s19, $0xb8;
	[tilespmem:$0x155E0] =	vst v63  }
0x8a: {  	_ = 	snop  }
0x8b: {  	[spmem:s2] =	stream.indirect.scatter.add.bf16 [tilespmem:s0], [sflag:$0xD], $0x40, s20, s15, $0xb8;
	[tilespmem:$0x155E0] =	vst v63  }
0x8c: {  	_ =	swait.ge [sflag:s18], $0x1E00  }
0x8d: {  	[sflag:s18] =	ssyncset.done $0x0  }
0x8e: {  	s6 =	simm.s32 @p1 $0x9;
	[sflag:s18] =	ssyncadd.s32 $0xFFFFE200  }
0x8f: {  	_ =	swait.ge @p1 [sflag:s6], $0x1000  }
0x90: {  	[sflag:s6] =	ssyncset.done @p1 $0x0  }
0x91: {  	[sflag:s6] =	ssyncadd.s32 @p1 $0xFFFFF000  }
0x92: {  	_ =	swait.ge @p1 [sflag:s6], $0xE00  }
0x93: {  	[sflag:s6] =	ssyncset.done @p1 $0x0  }
0x94: {  	s31 =	simm.s32 @!p1 $0xF0;
	[sflag:s6] =	ssyncadd.s32 @p1 $0xFFFFF200;
	s6 =	sadd.s32 @!p1 $0xD2, s1  }
0x95: {  	[tilespmem:s31], [sflag:$0x2] =	stream.linear.gather @!p1 [hbm4b:s6+s8], $0xF0, $0x38;
	[tilespmem:$0x155E0] =	vst v63  }
0x96: {  	s6 =	simm.s32 @!p1 $0x9  }
0x97: {  	_ =	swait.ge @!p1 [sflag:s6], $0x1000  }
0x98: {  	[sflag:s6] =	ssyncset.done @!p1 $0x0  }
0x99: {  	[sflag:s6] =	ssyncadd.s32 @!p1 $0xFFFFF000  }
0x9a: {  	_ =	swait.ge @!p1 [sflag:s6], $0xE00  }
0x9b: {  	[sflag:s6] =	ssyncset.done @!p1 $0x0  }
0x9c: {  	[sflag:s6] =	ssyncadd.s32 @!p1 $0xFFFFF200;
	s6 =	simm.s32 @!p1 $0x2  }
0x9d: {  	_ =	swait.ge @!p1 [sflag:s6], $0xF0  }
0x9e: {  	[sflag:s6] =	ssyncset.done @!p1 $0x0  }
0x9f: {  	[sflag:s6] =	ssyncadd.s32 @!p1 $0xFFFFFF10;
	s6 =	simm.s32 @!p1 $0x23A0  }
0xa0: {  	[tilespmem:s6], [sflag:$0x8] =	stream.indirect.gather @!p1 [hbm4b:s5+s17], $0x40, s31, s17, $0xb8;
	[tilespmem:$0x155E0] =	vst v63  }
0xa1: {  	s6 =	simm.s32 @!p1 $0x130;
	s31 =	simm.s32 @!p1 $0x33A0  }
0xa2: {  	[tilespmem:s31], [sflag:$0x8] =	stream.indirect.gather @!p1 [hbm4b:s5+s19], $0x40, s6, s19, $0xb8;
	[tilespmem:$0x155E0] =	vst v63  }
0xa3: {  	_ = 	snop  }
0xa4: {  	[spmem:s2] =	stream.indirect.scatter.add.bf16 [tilespmem:s30], [sflag:$0xD], $0x40, s21, s15, $0xb8;
	[tilespmem:$0x155E0] =	vst v63  }
0xa5: {  	_ =	swait.ge [sflag:s18], $0x1E00  }
0xa6: {  	[sflag:s18] =	ssyncset.done $0x0  }
0xa7: {  	s6 =	simm.s32 @p1 $0xA;
	[sflag:s18] =	ssyncadd.s32 $0xFFFFE200  }
0xa8: {  	_ =	swait.ge @p1 [sflag:s6], $0x1000  }
0xa9: {  	[sflag:s6] =	ssyncset.done @p1 $0x0  }
0xaa: {  	[sflag:s6] =	ssyncadd.s32 @p1 $0xFFFFF000  }
0xab: {  	_ =	swait.ge @p1 [sflag:s6], $0xE00  }
0xac: {  	[sflag:s6] =	ssyncset.done @p1 $0x0  }
0xad: {  	s31 =	simm.s32 @!p1 $0x1E0;
	[sflag:s6] =	ssyncadd.s32 @p1 $0xFFFFF200;
	s6 =	sadd.s32 @!p1 $0xF0, s1  }
0xae: {  	[tilespmem:s31], [sflag:$0x3] =	stream.linear.gather @!p1 [hbm4b:s6+s8], $0xF0, $0x38;
	[tilespmem:$0x155E0] =	vst v63  }
0xaf: {  	s6 =	simm.s32 @!p1 $0xA  }
0xb0: {  	_ =	swait.ge @!p1 [sflag:s6], $0x1000  }
0xb1: {  	[sflag:s6] =	ssyncset.done @!p1 $0x0  }
0xb2: {  	[sflag:s6] =	ssyncadd.s32 @!p1 $0xFFFFF000  }
0xb3: {  	_ =	swait.ge @!p1 [sflag:s6], $0xE00  }
0xb4: {  	[sflag:s6] =	ssyncset.done @!p1 $0x0  }
0xb5: {  	[sflag:s6] =	ssyncadd.s32 @!p1 $0xFFFFF200;
	s6 =	simm.s32 @!p1 $0x3  }
0xb6: {  	_ =	swait.ge @!p1 [sflag:s6], $0xF0  }
0xb7: {  	[sflag:s6] =	ssyncset.done @!p1 $0x0  }
0xb8: {  	[sflag:s6] =	ssyncadd.s32 @!p1 $0xFFFFFF10;
	s6 =	simm.s32 @!p1 $0x41A0  }
0xb9: {  	[tilespmem:s6], [sflag:$0x9] =	stream.indirect.gather @!p1 [hbm4b:s5+s17], $0x40, s31, s17, $0xb8;
	[tilespmem:$0x155E0] =	vst v63  }
0xba: {  	s6 =	simm.s32 @!p1 $0x220;
	s31 =	simm.s32 @!p1 $0x51A0  }
0xbb: {  	[tilespmem:s31], [sflag:$0x9] =	stream.indirect.gather @!p1 [hbm4b:s5+s19], $0x40, s6, s19, $0xb8;
	[tilespmem:$0x155E0] =	vst v63  }
0xbc: {  	_ = 	snop  }
0xbd: {  	[spmem:s2] =	stream.indirect.scatter.add.bf16 [tilespmem:s7], [sflag:$0xD], $0x40, s22, s15, $0xb8;
	[tilespmem:$0x155E0] =	vst v63  }
0xbe: {  	_ =	swait.ge [sflag:s18], $0x1E00  }
0xbf: {  	[sflag:s18] =	ssyncset.done $0x0  }
0xc0: {  	s6 =	simm.s32 @p1 $0xB;
	[sflag:s18] =	ssyncadd.s32 $0xFFFFE200  }
0xc1: {  	_ =	swait.ge @p1 [sflag:s6], $0x1000  }
0xc2: {  	[sflag:s6] =	ssyncset.done @p1 $0x0  }
0xc3: {  	[sflag:s6] =	ssyncadd.s32 @p1 $0xFFFFF000  }
0xc4: {  	_ =	swait.ge @p1 [sflag:s6], $0xE00  }
0xc5: {  	[sflag:s6] =	ssyncset.done @p1 $0x0  }
0xc6: {  	s31 =	simm.s32 @!p1 $0x2D0;
	[sflag:s6] =	ssyncadd.s32 @p1 $0xFFFFF200;
	s6 =	sadd.s32 @!p1 $0x10E, s1  }
0xc7: {  	[tilespmem:s31], [sflag:$0x4] =	stream.linear.gather @!p1 [hbm4b:s6+s8], $0xF0, $0x38;
	[tilespmem:$0x155E0] =	vst v63  }
0xc8: {  	s6 =	simm.s32 @!p1 $0xB  }
0xc9: {  	_ =	swait.ge @!p1 [sflag:s6], $0x1000  }
0xca: {  	[sflag:s6] =	ssyncset.done @!p1 $0x0  }
0xcb: {  	[sflag:s6] =	ssyncadd.s32 @!p1 $0xFFFFF000  }
0xcc: {  	_ =	swait.ge @!p1 [sflag:s6], $0xE00  }
0xcd: {  	[sflag:s6] =	ssyncset.done @!p1 $0x0  }
0xce: {  	[sflag:s6] =	ssyncadd.s32 @!p1 $0xFFFFF200;
	s6 =	simm.s32 @!p1 $0x4  }
0xcf: {  	_ =	swait.ge @!p1 [sflag:s6], $0xF0  }
0xd0: {  	[sflag:s6] =	ssyncset.done @!p1 $0x0  }
0xd1: {  	[sflag:s6] =	ssyncadd.s32 @!p1 $0xFFFFFF10;
	s6 =	simm.s32 @!p1 $0x5FA0  }
0xd2: {  	[tilespmem:s6], [sflag:$0xA] =	stream.indirect.gather @!p1 [hbm4b:s5+s17], $0x40, s31, s17, $0xb8;
	[tilespmem:$0x155E0] =	vst v63  }
0xd3: {  	s6 =	simm.s32 @!p1 $0x310;
	s31 =	simm.s32 @!p1 $0x6FA0  }
0xd4: {  	[tilespmem:s31], [sflag:$0xA] =	stream.indirect.gather @!p1 [hbm4b:s5+s19], $0x40, s6, s19, $0xb8;
	[tilespmem:$0x155E0] =	vst v63  }
0xd5: {  	_ = 	snop  }
0xd6: {  	[spmem:s2] =	stream.indirect.scatter.add.bf16 [tilespmem:s9], [sflag:$0xD], $0x40, s23, s15, $0xb8;
	[tilespmem:$0x155E0] =	vst v63  }
0xd7: {  	_ =	swait.ge [sflag:s18], $0x1E00  }
0xd8: {  	[sflag:s18] =	ssyncset.done $0x0  }
0xd9: {  	s6 =	simm.s32 @p1 $0xC;
	[sflag:s18] =	ssyncadd.s32 $0xFFFFE200  }
0xda: {  	_ =	swait.ge @p1 [sflag:s6], $0x1000  }
0xdb: {  	[sflag:s6] =	ssyncset.done @p1 $0x0  }
0xdc: {  	[sflag:s6] =	ssyncadd.s32 @p1 $0xFFFFF000  }
0xdd: {  	_ =	swait.ge @p1 [sflag:s6], $0xE00  }
0xde: {  	[sflag:s6] =	ssyncset.done @p1 $0x0  }
0xdf: {  	s1 =	sadd.s32 @!p1 $0x12C, s1;
	[sflag:s6] =	ssyncadd.s32 @p1 $0xFFFFF200;
	s6 =	simm.s32 @!p1 $0x3C0  }
0xe0: {  	[tilespmem:s6], [sflag:$0x5] =	stream.linear.gather @!p1 [hbm4b:s1+s8], $0xF0, $0x38;
	[tilespmem:$0x155E0] =	vst v63  }
0xe1: {  	s1 =	simm.s32 @!p1 $0xC  }
0xe2: {  	_ =	swait.ge @!p1 [sflag:s1], $0x1000  }
0xe3: {  	[sflag:s1] =	ssyncset.done @!p1 $0x0  }
0xe4: {  	[sflag:s1] =	ssyncadd.s32 @!p1 $0xFFFFF000  }
0xe5: {  	_ =	swait.ge @!p1 [sflag:s1], $0xE00  }
0xe6: {  	[sflag:s1] =	ssyncset.done @!p1 $0x0  }
0xe7: {  	[sflag:s1] =	ssyncadd.s32 @!p1 $0xFFFFF200;
	s1 =	simm.s32 @!p1 $0x5  }
0xe8: {  	_ =	swait.ge @!p1 [sflag:s1], $0xF0  }
0xe9: {  	[sflag:s1] =	ssyncset.done @!p1 $0x0  }
0xea: {  	[sflag:s1] =	ssyncadd.s32 @!p1 $0xFFFFFF10;
	s1 =	simm.s32 @!p1 $0x7DA0  }
0xeb: {  	[tilespmem:s1], [sflag:$0xB] =	stream.indirect.gather @!p1 [hbm4b:s5+s17], $0x40, s6, s17, $0xb8;
	[tilespmem:$0x155E0] =	vst v63  }
0xec: {  	s1 =	simm.s32 @!p1 $0x400;
	s6 =	simm.s32 @!p1 $0x8DA0  }
0xed: {  	[tilespmem:s6], [sflag:$0xB] =	stream.indirect.gather @!p1 [hbm4b:s5+s19], $0x40, s1, s19, $0xb8;
	[tilespmem:$0x155E0] =	vst v63  }
.Ltmp2:
0xee: {  	_ = 	snop;
	(pc) =	sbr.rel @p1 .LBB2_4-.Ltmp2, $4  }
0xef: {  	[spmem:s2] =	stream.indirect.scatter.add.bf16 [tilespmem:s12], [sflag:$0xD], $0x40, s25, s15, $0xb8;
	[tilespmem:$0x155E0] =	vst v63  }
0xf0: {  	_ =	swait.ge [sflag:s18], $0x1E00  }
0xf1: {  	[sflag:s18] =	ssyncset.done $0x0  }
0xf2: {  	[sflag:s18] =	ssyncadd.s32 $0xFFFFE200  }
.Ltmp3:
0xf3: {  	(pc) =	sbr.rel .LBB2_2-.Ltmp3, $4  }
0xf4: {  	_ = 	snop  }
0xf5: {  	s1 =	sadd.s32 s3, s16  }
0xf6: {  	s3 =	sadd.s32 $0xB4, s3;
	s1 =	sadd.s32 $0x14A, s1  }
0xf7: {  	[tilespmem:s24], [sflag:$0x6] =	stream.linear.gather [hbm4b:s1+s4], $0xF0, $0x38;
	[tilespmem:$0x155E0] =	vst v63  }
.LBB2_5:
0xf8: {  	_ =	sfence.sel $0x180000  }
0xf9: {  	[bflag:$0x0] =	sbarrier.arrive $0xFFFF  }
0xfa: {  	_ =	strace $0x90000047  }
0xfb: {  	s0 =	stileid.u32;
	[bflag:$0x2] =	sbarrier.arrive $0xFFFF  }
0xfc: {  	p0 =	sne.s32 s0, $0x0;
	s0 =	rddreg [dreg:$0x3]  }
0xfd: {  	s0 =	sadd.s32 @!p0 $0x100000, s0  }
0xfe: {  	[sflag:s0] =	ssyncadd.tile.s32 @!p0 $0x1;
	_ =	shalt  }
.Lfunc_end2:
_tile_overlayer_lowered:
.L_overlay_start_2:
0xff: {  	(tag) =	ssettag $0x2  }
0x100: {  	s0 =	rddreg [dreg:$0x0];
	s2 =	stileid.u32  }
0x101: {  	s1 =	rddreg [dreg:$0x1];
	p0 =	sne.s32 s2, $0x0  }
0x102: {  	s3 =	rddreg [dreg:$0x2];
	[bflag:$0x3] =	sbarrier.arrive $0xFFFF;
	s2 =	simm.s32 @!p0 $0x1C0D  }
0x103: {  	[timem:s3], [sflag:s2] =	dma.local @!p0 [hbm:s0], s1  }
0x104: {  	s0 =	simm.s32 @!p0 $0xD  }
0x105: {  	_ =	swait.ge @!p0 [sflag:s0], s1  }
0x106: {  	s1 =	ssub.s32 @!p0 $0x0, s1;
	[sflag:s0] =	ssyncset.done @!p0 $0x0  }
0x107: {  	[sflag:s0] =	ssyncadd.s32 @!p0 s1  }
0x108: {  	[bflag:$0x3] =	sbarrier.arrive $0xFFFF  }
0x109: {  	_ =	shalt  }

</sc_bundles>
